<compile_context>
chip_gen: v7x
topology: tpu7x:2x2x1
jax: 0.10.2.dev20260603
libtpu: 0.0.44.dev20260713+nightly
codegen_flags: <defaults>
</compile_context>

<pallas_src>
import functools

import jax
import jax.numpy as jnp
from jax import lax
from jax.experimental import pallas as pl
from jax.experimental.pallas import tpu as pltpu
from jax.experimental.pallas import tpu_sc as plsc

N = 100000
E = 1600000
D_IN = 32
H = 8
DO = 16
HD = H * DO

NC = 2
NS = 16
NW = NC * NS
CK = 128
E2 = 1601536
CHUNKS = E2 // CK
FULL_ITERS = CHUNKS // NW
N2 = 100352
RPS = N2 // NS
ZR = 98
ZCOPIES = RPS // ZR

_f32 = jnp.float32
_i32 = jnp.int32


def _k1_body(x_ref, w_ref, asf_ref, adf_ref, s2_ref, h_ref, as2_ref, ad2_ref):
    h = jnp.dot(x_ref[...], w_ref[...], preferred_element_type=_f32, precision=lax.Precision.HIGHEST)
    h_ref[...] = h
    as2_ref[...] = jnp.dot(h * asf_ref[...], s2_ref[...],
                           preferred_element_type=_f32,
                           precision=lax.Precision.HIGHEST)
    ad2_ref[...] = jnp.dot(h * adf_ref[...], s2_ref[...],
                           preferred_element_type=_f32,
                           precision=lax.Precision.HIGHEST)


def _k1(x, W, att_src, att_dst):
    B = 2000
    grid = (N // B,)
    asf = att_src.reshape(1, HD)
    adf = att_dst.reshape(1, HD)
    j = jnp.arange(HD)[:, None] // DO
    c = jnp.arange(2 * H)[None, :] % H
    s2 = (j == c).astype(_f32)
    return pl.pallas_call(
        _k1_body,
        grid=grid,
        in_specs=[
            pl.BlockSpec((B, D_IN), lambda i: (i, 0)),
            pl.BlockSpec((D_IN, HD), lambda i: (0, 0)),
            pl.BlockSpec((1, HD), lambda i: (0, 0)),
            pl.BlockSpec((1, HD), lambda i: (0, 0)),
            pl.BlockSpec((HD, 2 * H), lambda i: (0, 0)),
        ],
        out_specs=[
            pl.BlockSpec((B, HD), lambda i: (i, 0)),
            pl.BlockSpec((B, 2 * H), lambda i: (i, 0)),
            pl.BlockSpec((B, 2 * H), lambda i: (i, 0)),
        ],
        out_shape=[
            jax.ShapeDtypeStruct((N, HD), _f32),
            jax.ShapeDtypeStruct((N, 2 * H), _f32),
            jax.ShapeDtypeStruct((N, 2 * H), _f32),
        ],
    )(x, W, asf, adf, s2)


def _passA_body(src_hbm, dst_hbm, asrc_hbm, adst_hbm,
                den_out, w_out,
                idx_s, idx_d, gs, gd, wbuf, zbuf, dacc,
                sem1, sem2):
    c = lax.axis_index("c")
    s = lax.axis_index("s")
    wid = c * NS + s

    def _zb(i, carry):
        zbuf[i] = jnp.zeros((16,), _f32)
        return carry
    lax.fori_loop(0, ZR, _zb, 0)

    def _zc(i, carry):
        pltpu.sync_copy(zbuf, dacc.at[pl.ds(s * RPS + i * ZR, ZR)])
        return carry
    lax.fori_loop(0, ZCOPIES, _zc, 0)
    plsc.subcore_barrier()

    def do_chunk(g):
        off = g * CK
        pltpu.sync_copy(src_hbm.at[pl.ds(off, CK)], idx_s)
        pltpu.sync_copy(dst_hbm.at[pl.ds(off, CK)], idx_d)
        cp1 = pltpu.async_copy(asrc_hbm.at[idx_s], gs, sem1)
        cp2 = pltpu.async_copy(adst_hbm.at[idx_d], gd, sem2)
        cp1.wait()
        cp2.wait()

        def _ebody(k, carry):
            e = gs[k] + gd[k]
            e = jnp.where(e >= 0.0, e, 0.2 * e)
            wbuf[k] = jnp.exp(e)
            return carry
        lax.fori_loop(0, CK, _ebody, 0)
        pltpu.sync_copy(wbuf, w_out.at[pl.ds(off, CK)])
        pltpu.sync_copy(wbuf, dacc.at[idx_d], add=True)

    def _loop(i, carry):
        do_chunk(i * NW + wid)
        return carry
    lax.fori_loop(0, FULL_ITERS, _loop, 0)

    plsc.subcore_barrier()
    pltpu.sync_copy(dacc.at[pl.ds(s * RPS, RPS)],
                    den_out.at[c, pl.ds(s * RPS, RPS)])


def _k2(src, dst, asrc2, adst2):
    mesh = plsc.VectorSubcoreMesh(core_axis_name="c", subcore_axis_name="s")
    fn = pl.kernel(
        _passA_body,
        out_type=[
            jax.ShapeDtypeStruct((NC, N2, 2 * H), _f32),
            jax.ShapeDtypeStruct((E2, 2 * H), _f32),
        ],
        mesh=mesh,
        compiler_params=pltpu.CompilerParams(use_tc_tiling_on_sc=False, needs_layout_passes=False),
        scratch_types=[
            pltpu.VMEM((CK,), _i32),
            pltpu.VMEM((CK,), _i32),
            pltpu.VMEM((CK, 2 * H), _f32),
            pltpu.VMEM((CK, 2 * H), _f32),
            pltpu.VMEM((CK, 2 * H), _f32),
            pltpu.VMEM((ZR, 2 * H), _f32),
            pltpu.VMEM_SHARED((N2, 2 * H), _f32),
            pltpu.SemaphoreType.DMA,
            pltpu.SemaphoreType.DMA,
        ],
    )
    return fn(src, dst, asrc2, adst2)


def _k3_body(h_ref, as2_ref, ad2_ref, dpart_ref, e16_ref, p16_ref,
             rec_ref, oloop_ref):
    e = as2_ref[...] + ad2_ref[...]
    w2 = jnp.exp(jnp.where(e >= 0.0, e, 0.2 * e))
    den = dpart_ref[0] + dpart_ref[1] + w2
    rec = 1.0 / (den + 1e-16)
    rec_ref[...] = rec
    al2 = w2 * rec
    expand = 0.5 * jnp.dot(al2, e16_ref[...], preferred_element_type=_f32,
                           precision=lax.Precision.HIGHEST)
    oloop_ref[...] = jnp.dot(h_ref[...] * expand, p16_ref[...],
                             preferred_element_type=_f32,
                             precision=lax.Precision.HIGHEST)


def _k3(h, asrc2, adst2, dpart):
    B = 2000
    grid = (N // B,)
    cc = jnp.arange(2 * H)[:, None] % H
    jj = jnp.arange(HD)[None, :] // DO
    e16 = (cc == jj).astype(_f32)
    dd = jnp.arange(DO)[None, :]
    j2 = jnp.arange(HD)[:, None] % DO
    p16 = (j2 == dd).astype(_f32)
    return pl.pallas_call(
        _k3_body,
        grid=grid,
        in_specs=[
            pl.BlockSpec((B, HD), lambda i: (i, 0)),
            pl.BlockSpec((B, 2 * H), lambda i: (i, 0)),
            pl.BlockSpec((B, 2 * H), lambda i: (i, 0)),
            pl.BlockSpec((NC, B, 2 * H), lambda i: (0, i, 0)),
            pl.BlockSpec((2 * H, HD), lambda i: (0, 0)),
            pl.BlockSpec((HD, DO), lambda i: (0, 0)),
        ],
        out_specs=[
            pl.BlockSpec((B, 2 * H), lambda i: (i, 0)),
            pl.BlockSpec((B, DO), lambda i: (i, 0)),
        ],
        out_shape=[
            jax.ShapeDtypeStruct((N, 2 * H), _f32),
            jax.ShapeDtypeStruct((N, DO), _f32),
        ],
    )(h, asrc2, adst2, dpart, e16, p16)


def _passB_body(src_hbm, dst_hbm, w_hbm, rec_hbm, h_hbm,
                out_hbm,
                idx_s, idx_d, wbuf, rbuf, hbuf, contrib, alb, zbuf, oacc,
                sem1, sem2, sem3):
    c = lax.axis_index("c")
    s = lax.axis_index("s")
    wid = c * NS + s

    def _zb(i, carry):
        zbuf[i] = jnp.zeros((16,), _f32)
        return carry
    lax.fori_loop(0, ZR, _zb, 0)

    def _zc(i, carry):
        pltpu.sync_copy(zbuf, oacc.at[pl.ds(s * RPS + i * ZR, ZR)])
        return carry
    lax.fori_loop(0, ZCOPIES, _zc, 0)
    plsc.subcore_barrier()

    def do_chunk(g):
        off = g * CK
        pltpu.sync_copy(src_hbm.at[pl.ds(off, CK)], idx_s)
        pltpu.sync_copy(dst_hbm.at[pl.ds(off, CK)], idx_d)
        cp1 = pltpu.async_copy(rec_hbm.at[idx_d], rbuf, sem1)
        cp2 = pltpu.async_copy(h_hbm.at[idx_s], hbuf, sem2)
        cp3 = pltpu.async_copy(w_hbm.at[pl.ds(off, CK)], wbuf, sem3)
        cp1.wait()
        cp2.wait()
        cp3.wait()

        def _ebody(k, carry):
            kk = jnp.full((16,), k, _i32)
            acc = jnp.zeros((16,), _f32)
            for hh in range(H):
                hv = jnp.full((16,), hh, _i32)
                bc = (plsc.load_gather(wbuf, [kk, hv])
                      * plsc.load_gather(rbuf, [kk, hv]))
                acc = acc + bc * hbuf[k, pl.ds(hh * DO, DO)]
            contrib[k] = acc
            return carry
        lax.fori_loop(0, CK, _ebody, 0)
        pltpu.sync_copy(contrib, oacc.at[idx_d], add=True)

    def _loop(i, carry):
        do_chunk(i * NW + wid)
        return carry
    lax.fori_loop(0, FULL_ITERS, _loop, 0)

    plsc.subcore_barrier()
    pltpu.sync_copy(oacc.at[pl.ds(s * RPS, RPS)],
                    out_hbm.at[c, pl.ds(s * RPS, RPS)])


def _k4(src, dst, wstore, rec, h):
    mesh = plsc.VectorSubcoreMesh(core_axis_name="c", subcore_axis_name="s")
    fn = pl.kernel(
        _passB_body,
        out_type=jax.ShapeDtypeStruct((NC, N2, DO), _f32),
        mesh=mesh,
        compiler_params=pltpu.CompilerParams(use_tc_tiling_on_sc=False, needs_layout_passes=False),
        scratch_types=[
            pltpu.VMEM((CK,), _i32),
            pltpu.VMEM((CK,), _i32),
            pltpu.VMEM((CK, 2 * H), _f32),
            pltpu.VMEM((CK, 2 * H), _f32),
            pltpu.VMEM((CK, HD), _f32),
            pltpu.VMEM((CK, DO), _f32),
            pltpu.VMEM((16,), _f32),
            pltpu.VMEM((ZR, DO), _f32),
            pltpu.VMEM_SHARED((N2, DO), _f32),
            pltpu.SemaphoreType.DMA,
            pltpu.SemaphoreType.DMA,
            pltpu.SemaphoreType.DMA,
        ],
    )
    return fn(src, dst, wstore, rec, h)


def _k5_body(opart_ref, oloop_ref, bias_ref, out_ref):
    v = (opart_ref[0] + opart_ref[1] + oloop_ref[...]) * (1.0 / H)
    v = v + bias_ref[0:1, :]
    out_ref[...] = jnp.where(v >= 0.0, v, 0.01 * v)


def _k5(opart, oloop, bias):
    B = 2000
    grid = (N // B,)
    bias2 = jnp.broadcast_to(bias.reshape(1, DO), (8, DO))
    return pl.pallas_call(
        _k5_body,
        grid=grid,
        in_specs=[
            pl.BlockSpec((NC, B, DO), lambda i: (0, i, 0)),
            pl.BlockSpec((B, DO), lambda i: (i, 0)),
            pl.BlockSpec((8, DO), lambda i: (0, 0)),
        ],
        out_specs=pl.BlockSpec((B, DO), lambda i: (i, 0)),
        out_shape=jax.ShapeDtypeStruct((N, DO), _f32),
    )(opart, oloop, bias2)


def kernel(x, edge_index, adj_weight, W, att_src, att_dst, bias):
    del adj_weight
    pad = E2 - E
    src = jnp.concatenate([edge_index[0], jnp.zeros((pad,), _i32)])
    dst = jnp.concatenate([edge_index[1], jnp.full((pad,), N, _i32)])
    h, asrc2, adst2 = _k1(x, W, att_src, att_dst)
    asrc2p = jnp.pad(asrc2, ((0, N2 - N), (0, 0)))
    adst2p = jnp.pad(adst2, ((0, N2 - N), (0, 0)))
    dpart, wstore = _k2(src, dst, asrc2p, adst2p)
    dpart = dpart[:, :N, :]
    rec, oloop = _k3(h, asrc2, adst2, dpart)
    recp = jnp.pad(rec, ((0, N2 - N), (0, 0)))
    opart = _k4(src, dst, wstore, recp, h)
    opart = opart[:, :N, :]
    return _k5(opart, oloop, bias)

# --- scband reference (transcript-rebuilt; emitter-appended) ---
"""Pipeline reference for scband-graph-atte-layer-77043123356298 (READ-ONLY COPY).

The authoritative reference and input builder live on the scoring server;
editing this copy changes nothing except your own understanding.
"""

import jax, jax.numpy as jnp
import numpy as np

N = 100000
E = 1600000
D_IN = 32
HEADS = 8
D_OUT = 16


def setup_inputs(seed: int = 0) -> dict:
    key = jax.random.key(seed)
    k1, k2, k3, k4, k5, k6, k7 = jax.random.split(key, 7)
    x = jax.random.normal(k1, (N, D_IN), dtype=jnp.float32)
    edge_index = jax.random.randint(k2, (2, E), 0, N, dtype=jnp.int32)
    adj_weight = jax.random.uniform(k3, (E,), dtype=jnp.float32)
    # GATConv parameters (share=False, single field 'text'): lin weight, attention vectors, bias
    W = jax.random.normal(k4, (D_IN, HEADS * D_OUT), dtype=jnp.float32) * (1.0 / np.sqrt(D_IN))
    att_src = jax.random.normal(k5, (HEADS, D_OUT), dtype=jnp.float32) * 0.1
    att_dst = jax.random.normal(k6, (HEADS, D_OUT), dtype=jnp.float32) * 0.1
    bias = jax.random.normal(k7, (D_OUT,), dtype=jnp.float32) * 0.01
    return {"x": x, "edge_index": edge_index, "adj_weight": adj_weight,
            "W": W, "att_src": att_src, "att_dst": att_dst, "bias": bias}


def reference(x, edge_index, adj_weight, W, att_src, att_dst, bias):
    # GraphAtteLayer.forward for single field 'text':
    # rep = GATConv(rep, adj_index); rep = leaky_relu(rep)
    # GATConv (concat=False, eval mode -> attention dropout is identity).
    # adj_weight is stored on the module but unused by forward (GATConv is called
    # without edge weights) -- kept in the signature for faithfulness.
    loop = jnp.arange(N, dtype=edge_index.dtype)
    src = jnp.concatenate([edge_index[0], loop])  # PyG GATConv add_self_loops=True
    dst = jnp.concatenate([edge_index[1], loop])
    h = (x @ W).reshape(N, HEADS, D_OUT)
    a_src = (h * att_src[None, :, :]).sum(-1)  # [N, H]
    a_dst = (h * att_dst[None, :, :]).sum(-1)  # [N, H]
    e = a_src[src] + a_dst[dst]                # [E+N, H]
    e = jax.nn.leaky_relu(e, 0.2)
    m = jax.ops.segment_max(e, dst, num_segments=N)
    m = jnp.where(jnp.isfinite(m), m, 0.0)
    ex = jnp.exp(e - m[dst])
    denom = jax.ops.segment_sum(ex, dst, num_segments=N)
    alpha = ex / (denom[dst] + 1e-16)          # softmax over incoming edges per dst
    msg = alpha[:, :, None] * h[src]           # [E+N, H, D_OUT]
    out = jax.ops.segment_sum(msg, dst, num_segments=N)  # [N, H, D_OUT]
    out = out.mean(axis=1) + bias[None, :]     # concat=False -> head mean, + bias
    out = jax.nn.leaky_relu(out, 0.01)         # F.leaky_relu default slope
    return out

if __name__ == "__main__":
    import jax
    _d = setup_inputs()
    print(jax.jit(kernel)(*tuple(_d.values())))

</pallas_src>

<mosaic_0001>
#map = affine_map<(d0, d1) -> (0)>
#map1 = affine_map<(d0, d1) -> (0, 0)>
#map2 = affine_map<(d0, d1) -> (0, 0, 0)>
module attributes {stable_mosaic.version = 14 : i64} {
  func.func @_passB_body(%arg0: i32, %arg1: i32, %arg2: memref<1601536xi32, #tpu.memory_space<hbm>>, %arg3: memref<1601536xi32, #tpu.memory_space<hbm>>, %arg4: memref<1601536x16xf32, #tpu.memory_space<hbm>>, %arg5: memref<100352x16xf32, #tpu.memory_space<hbm>>, %arg6: memref<100000x128xf32, #tpu.memory_space<hbm>>, %arg7: memref<2x100352x16xf32, #tpu.memory_space<hbm>>, %arg8: memref<128xi32, #tpu.memory_space<vmem>>, %arg9: memref<128xi32, #tpu.memory_space<vmem>>, %arg10: memref<128x16xf32, #tpu.memory_space<vmem>>, %arg11: memref<128x16xf32, #tpu.memory_space<vmem>>, %arg12: memref<128x128xf32, #tpu.memory_space<vmem>>, %arg13: memref<128x16xf32, #tpu.memory_space<vmem>>, %arg14: memref<16xf32, #tpu.memory_space<vmem>>, %arg15: memref<98x16xf32, #tpu.memory_space<vmem>>, %arg16: memref<100352x16xf32, #tpu.memory_space<vmem_shared>>, %arg17: memref<!tpu.dma_semaphore, #tpu.memory_space<semaphore_mem>>, %arg18: memref<!tpu.dma_semaphore, #tpu.memory_space<semaphore_mem>>, %arg19: memref<!tpu.dma_semaphore, #tpu.memory_space<semaphore_mem>>) attributes {dimension_semantics = [#tpu.dimension_semantics<core_parallel>, #tpu.dimension_semantics<subcore_parallel>], iteration_bounds = array<i64: 2, 16>, scalar_prefetch = 0 : i64, scratch_operands = 12 : i64, tpu.core_type = #tpu.core_type<sc_vector_subcore>, window_params = [{transform_indices = #map}, {transform_indices = #map}, {transform_indices = #map1}, {transform_indices = #map1}, {transform_indices = #map1}, {transform_indices = #map2}]} {
    %mul3A = arith.constant 16 : i32
    %mul3A_0 = arith.muli %arg0, %mul3A : i32
    %add3A = arith.addi %mul3A_0, %arg1 : i32
    %scan3A = arith.constant 0 : i32
    %scan3A_1 = arith.constant 0 : i32
    %scan3A_2 = arith.constant 98 : i32
    %scan3A_3 = arith.addi %scan3A_1, %scan3A_2 : i32
    %scan3A_4 = arith.constant 1 : i32
    scf.for %scan3A_23 = %scan3A_1 to %scan3A_3 step %scan3A_4  : i32 {
      %broadcast_in_dim3A = arith.constant 0.000000e+00 : f32
      %broadcast_in_dim3A_24 = vector.broadcast %broadcast_in_dim3A : f32 to vector<16xf32>
      %swap3A = arith.index_cast %scan3A_23 : i32 to index
      %swap3A_25 = arith.constant 0 : index
      %swap3A_26 = tpu.vector_load %arg15[%swap3A, %swap3A_25] {strides = array<i32>} : memref<98x16xf32, #tpu.memory_space<vmem>>, vector<16xf32>,
      tpu.vector_store %arg15[%swap3A, %swap3A_25], %broadcast_in_dim3A_24 {strides = array<i32>} : memref<98x16xf32, #tpu.memory_space<vmem>>, vector<16xf32>,
    }
    %scan3A_5 = arith.constant 98 : i32
    %scan3A_6 = arith.constant 0 : i32
    %scan3A_7 = arith.constant 0 : i32
    %scan3A_8 = arith.constant 64 : i32
    %scan3A_9 = arith.addi %scan3A_7, %scan3A_8 : i32
    %scan3A_10 = arith.constant 1 : i32
    scf.for %scan3A_23 = %scan3A_7 to %scan3A_9 step %scan3A_10  : i32 {
      %mul3A_24 = arith.constant 6272 : i32
      %mul3A_25 = arith.muli %arg1, %mul3A_24 : i32
      %mul3A_26 = arith.constant 98 : i32
      %mul3A_27 = arith.muli %scan3A_23, %mul3A_26 : i32
      %add3A_28 = arith.addi %mul3A_25, %mul3A_27 : i32
      "tpu.region"() ({
        %run_scoped3A = tpu.sem_alloc : memref<!tpu.dma_semaphore, #tpu.memory_space<semaphore_mem>>
        %dma_start3A = arith.constant 0 : i32
        %dma_start3A_29 = tpu.memref_slice %arg16[%add3A_28, %dma_start3A] : memref<100352x16xf32, #tpu.memory_space<vmem_shared>> -> memref<98x16xf32, #tpu.memory_space<vmem_shared>>
        %dma_start3A_30 = arith.constant 0 : i32
        %dma_start3A_31 = tpu.memref_slice %arg16[%add3A_28, %dma_start3A_30] : memref<100352x16xf32, #tpu.memory_space<vmem_shared>> -> memref<98x16xf32, #tpu.memory_space<vmem_shared>>
        tpu.enqueue_dma source(%arg15 : memref<98x16xf32, #tpu.memory_space<vmem>>) target(%dma_start3A_31 : memref<98x16xf32, #tpu.memory_space<vmem_shared>>) target_semaphore(%run_scoped3A : memref<!tpu.dma_semaphore, #tpu.memory_space<semaphore_mem>>)
        %dma_wait3A = arith.constant 0 : i32
        %dma_wait3A_32 = tpu.memref_slice %arg16[%add3A_28, %dma_wait3A] : memref<100352x16xf32, #tpu.memory_space<vmem_shared>> -> memref<98x16xf32, #tpu.memory_space<vmem_shared>>
        %dma_wait3A_33 = arith.constant 0 : i32
        %dma_wait3A_34 = tpu.memref_slice %arg16[%add3A_28, %dma_wait3A_33] : memref<100352x16xf32, #tpu.memory_space<vmem_shared>> -> memref<98x16xf32, #tpu.memory_space<vmem_shared>>
        tpu.wait_dma2 semaphore(%run_scoped3A : memref<!tpu.dma_semaphore, #tpu.memory_space<semaphore_mem>>) src(%arg15 : memref<98x16xf32, #tpu.memory_space<vmem>>) dst(%dma_wait3A_34 : memref<98x16xf32, #tpu.memory_space<vmem_shared>>)
        tpu.yield
      }) : () -> ()
    }
    %scan3A_11 = arith.constant 64 : i32
    %barrier3A = arith.constant 0 : index
    tpu.barrier barrier_id(%barrier3A)
    %scan3A_12 = arith.constant 0 : i32
    %scan3A_13 = arith.constant 0 : i32
    %scan3A_14 = arith.constant 391 : i32
    %scan3A_15 = arith.addi %scan3A_13, %scan3A_14 : i32
    %scan3A_16 = arith.constant 1 : i32
    scf.for %scan3A_23 = %scan3A_13 to %scan3A_15 step %scan3A_16  : i32 {
      %mul3A_24 = arith.constant 32 : i32
      %mul3A_25 = arith.muli %scan3A_23, %mul3A_24 : i32
      %add3A_26 = arith.addi %mul3A_25, %add3A : i32
      %mul3A_27 = arith.constant 128 : i32
      %mul3A_28 = arith.muli %add3A_26, %mul3A_27 : i32
      "tpu.region"() ({
        %run_scoped3A = tpu.sem_alloc : memref<!tpu.dma_semaphore, #tpu.memory_space<semaphore_mem>>
        %dma_start3A_53 = tpu.memref_slice %arg2[%mul3A_28] : memref<1601536xi32, #tpu.memory_space<hbm>> -> memref<128xi32, #tpu.memory_space<hbm>>
        %dma_start3A_54 = tpu.memref_slice %arg2[%mul3A_28] : memref<1601536xi32, #tpu.memory_space<hbm>> -> memref<128xi32, #tpu.memory_space<hbm>>
        tpu.enqueue_dma source(%dma_start3A_54 : memref<128xi32, #tpu.memory_space<hbm>>) target(%arg8 : memref<128xi32, #tpu.memory_space<vmem>>) target_semaphore(%run_scoped3A : memref<!tpu.dma_semaphore, #tpu.memory_space<semaphore_mem>>)
        %dma_wait3A_55 = tpu.memref_slice %arg2[%mul3A_28] : memref<1601536xi32, #tpu.memory_space<hbm>> -> memref<128xi32, #tpu.memory_space<hbm>>
        %dma_wait3A_56 = tpu.memref_slice %arg2[%mul3A_28] : memref<1601536xi32, #tpu.memory_space<hbm>> -> memref<128xi32, #tpu.memory_space<hbm>>
        tpu.wait_dma2 semaphore(%run_scoped3A : memref<!tpu.dma_semaphore, #tpu.memory_space<semaphore_mem>>) src(%dma_wait3A_56 : memref<128xi32, #tpu.memory_space<hbm>>) dst(%arg8 : memref<128xi32, #tpu.memory_space<vmem>>)
        tpu.yield
      }) : () -> ()
      "tpu.region"() ({
        %run_scoped3A = tpu.sem_alloc : memref<!tpu.dma_semaphore, #tpu.memory_space<semaphore_mem>>
        %dma_start3A_53 = tpu.memref_slice %arg3[%mul3A_28] : memref<1601536xi32, #tpu.memory_space<hbm>> -> memref<128xi32, #tpu.memory_space<hbm>>
        %dma_start3A_54 = tpu.memref_slice %arg3[%mul3A_28] : memref<1601536xi32, #tpu.memory_space<hbm>> -> memref<128xi32, #tpu.memory_space<hbm>>
        tpu.enqueue_dma source(%dma_start3A_54 : memref<128xi32, #tpu.memory_space<hbm>>) target(%arg9 : memref<128xi32, #tpu.memory_space<vmem>>) target_semaphore(%run_scoped3A : memref<!tpu.dma_semaphore, #tpu.memory_space<semaphore_mem>>)
        %dma_wait3A_55 = tpu.memref_slice %arg3[%mul3A_28] : memref<1601536xi32, #tpu.memory_space<hbm>> -> memref<128xi32, #tpu.memory_space<hbm>>
        %dma_wait3A_56 = tpu.memref_slice %arg3[%mul3A_28] : memref<1601536xi32, #tpu.memory_space<hbm>> -> memref<128xi32, #tpu.memory_space<hbm>>
        tpu.wait_dma2 semaphore(%run_scoped3A : memref<!tpu.dma_semaphore, #tpu.memory_space<semaphore_mem>>) src(%dma_wait3A_56 : memref<128xi32, #tpu.memory_space<hbm>>) dst(%arg9 : memref<128xi32, #tpu.memory_space<vmem>>)
        tpu.yield
      }) : () -> ()
      %dma_start3A = arith.constant 0 : i32
      %dma_start3A_29 = arith.constant 0 : i32
      %dma_start3A_30 = tpu.memref_slice %arg5[%dma_start3A, %dma_start3A_29] : memref<100352x16xf32, #tpu.memory_space<hbm>> -> memref<100352x16xf32, #tpu.memory_space<hbm>>
      tpu.enqueue_indirect_dma source(%dma_start3A_30 : memref<100352x16xf32, #tpu.memory_space<hbm>>) target(%arg11 : memref<128x16xf32, #tpu.memory_space<vmem>>) offsets(%arg9 : memref<128xi32, #tpu.memory_space<vmem>>) semaphore(%arg17 : memref<!tpu.dma_semaphore, #tpu.memory_space<semaphore_mem>>)
      %dma_start3A_31 = arith.constant 0 : i32
      %dma_start3A_32 = arith.constant 0 : i32
      %dma_start3A_33 = tpu.memref_slice %arg6[%dma_start3A_31, %dma_start3A_32] : memref<100000x128xf32, #tpu.memory_space<hbm>> -> memref<100000x128xf32, #tpu.memory_space<hbm>>
      tpu.enqueue_indirect_dma source(%dma_start3A_33 : memref<100000x128xf32, #tpu.memory_space<hbm>>) target(%arg12 : memref<128x128xf32, #tpu.memory_space<vmem>>) offsets(%arg8 : memref<128xi32, #tpu.memory_space<vmem>>) semaphore(%arg18 : memref<!tpu.dma_semaphore, #tpu.memory_space<semaphore_mem>>)
      %dma_start3A_34 = arith.constant 0 : i32
      %dma_start3A_35 = tpu.memref_slice %arg4[%mul3A_28, %dma_start3A_34] : memref<1601536x16xf32, #tpu.memory_space<hbm>> -> memref<128x16xf32, #tpu.memory_space<hbm>>
      %dma_start3A_36 = arith.constant 0 : i32
      %dma_start3A_37 = tpu.memref_slice %arg4[%mul3A_28, %dma_start3A_36] : memref<1601536x16xf32, #tpu.memory_space<hbm>> -> memref<128x16xf32, #tpu.memory_space<hbm>>
      tpu.enqueue_dma source(%dma_start3A_37 : memref<128x16xf32, #tpu.memory_space<hbm>>) target(%arg10 : memref<128x16xf32, #tpu.memory_space<vmem>>) target_semaphore(%arg19 : memref<!tpu.dma_semaphore, #tpu.memory_space<semaphore_mem>>)
      %dma_wait3A = arith.constant 0 : i32
      %dma_wait3A_38 = arith.constant 0 : i32
      %dma_wait3A_39 = tpu.memref_slice %arg5[%dma_wait3A, %dma_wait3A_38] : memref<100352x16xf32, #tpu.memory_space<hbm>> -> memref<100352x16xf32, #tpu.memory_space<hbm>>
      tpu.wait_indirect_dma semaphore(%arg17 : memref<!tpu.dma_semaphore, #tpu.memory_space<semaphore_mem>>) src(%dma_wait3A_39 : memref<100352x16xf32, #tpu.memory_space<hbm>>) dst(%arg11 : memref<128x16xf32, #tpu.memory_space<vmem>>)
      %dma_wait3A_40 = arith.constant 0 : i32
      %dma_wait3A_41 = arith.constant 0 : i32
      %dma_wait3A_42 = tpu.memref_slice %arg6[%dma_wait3A_40, %dma_wait3A_41] : memref<100000x128xf32, #tpu.memory_space<hbm>> -> memref<100000x128xf32, #tpu.memory_space<hbm>>
      tpu.wait_indirect_dma semaphore(%arg18 : memref<!tpu.dma_semaphore, #tpu.memory_space<semaphore_mem>>) src(%dma_wait3A_42 : memref<100000x128xf32, #tpu.memory_space<hbm>>) dst(%arg12 : memref<128x128xf32, #tpu.memory_space<vmem>>)
      %dma_wait3A_43 = arith.constant 0 : i32
      %dma_wait3A_44 = tpu.memref_slice %arg4[%mul3A_28, %dma_wait3A_43] : memref<1601536x16xf32, #tpu.memory_space<hbm>> -> memref<128x16xf32, #tpu.memory_space<hbm>>
      %dma_wait3A_45 = arith.constant 0 : i32
      %dma_wait3A_46 = tpu.memref_slice %arg4[%mul3A_28, %dma_wait3A_45] : memref<1601536x16xf32, #tpu.memory_space<hbm>> -> memref<128x16xf32, #tpu.memory_space<hbm>>
      tpu.wait_dma2 semaphore(%arg19 : memref<!tpu.dma_semaphore, #tpu.memory_space<semaphore_mem>>) src(%dma_wait3A_46 : memref<128x16xf32, #tpu.memory_space<hbm>>) dst(%arg10 : memref<128x16xf32, #tpu.memory_space<vmem>>)
      %scan3A_47 = arith.constant 0 : i32
      %scan3A_48 = arith.constant 0 : i32
      %scan3A_49 = arith.constant 128 : i32
      %scan3A_50 = arith.addi %scan3A_48, %scan3A_49 : i32
      %scan3A_51 = arith.constant 1 : i32
      scf.for %scan3A_53 = %scan3A_48 to %scan3A_50 step %scan3A_51  : i32 {
        %broadcast_in_dim3A = vector.broadcast %scan3A_53 : i32 to vector<16xi32>
        %broadcast_in_dim3A_54 = arith.constant 0.000000e+00 : f32
        %broadcast_in_dim3A_55 = vector.broadcast %broadcast_in_dim3A_54 : f32 to vector<16xf32>
        %broadcast_in_dim3A_56 = arith.constant 0 : i32
        %broadcast_in_dim3A_57 = vector.broadcast %broadcast_in_dim3A_56 : i32 to vector<16xi32>
        %gather3A = tpu.vector_load_idx %arg10[%broadcast_in_dim3A, %broadcast_in_dim3A_57] : memref<128x16xf32, #tpu.memory_space<vmem>>[vector<16xi32>, vector<16xi32>], vector<16xf32>,
        %gather3A_58 = tpu.vector_load_idx %arg11[%broadcast_in_dim3A, %broadcast_in_dim3A_57] : memref<128x16xf32, #tpu.memory_space<vmem>>[vector<16xi32>, vector<16xi32>], vector<16xf32>,
        %mul3A_59 = arith.mulf %gather3A, %gather3A_58 : vector<16xf32>
        %get3A = arith.index_cast %scan3A_53 : i32 to index
        %get3A_60 = arith.constant 0 : index
        %get3A_61 = tpu.vector_load %arg12[%get3A, %get3A_60] {strides = array<i32>} : memref<128x128xf32, #tpu.memory_space<vmem>>, vector<16xf32>,
        %mul3A_62 = arith.mulf %mul3A_59, %get3A_61 : vector<16xf32>
        %add3A_63 = arith.addf %broadcast_in_dim3A_55, %mul3A_62 : vector<16xf32>
        %broadcast_in_dim3A_64 = arith.constant 1 : i32
        %broadcast_in_dim3A_65 = vector.broadcast %broadcast_in_dim3A_64 : i32 to vector<16xi32>
        %gather3A_66 = tpu.vector_load_idx %arg10[%broadcast_in_dim3A, %broadcast_in_dim3A_65] : memref<128x16xf32, #tpu.memory_space<vmem>>[vector<16xi32>, vector<16xi32>], vector<16xf32>,
        %gather3A_67 = tpu.vector_load_idx %arg11[%broadcast_in_dim3A, %broadcast_in_dim3A_65] : memref<128x16xf32, #tpu.memory_space<vmem>>[vector<16xi32>, vector<16xi32>], vector<16xf32>,
        %mul3A_68 = arith.mulf %gather3A_66, %gather3A_67 : vector<16xf32>
        %get3A_69 = arith.index_cast %scan3A_53 : i32 to index
        %get3A_70 = arith.constant 16 : index
        %get3A_71 = tpu.vector_load %arg12[%get3A_69, %get3A_70] {strides = array<i32>} : memref<128x128xf32, #tpu.memory_space<vmem>>, vector<16xf32>,
        %mul3A_72 = arith.mulf %mul3A_68, %get3A_71 : vector<16xf32>
        %add3A_73 = arith.addf %add3A_63, %mul3A_72 : vector<16xf32>
        %broadcast_in_dim3A_74 = arith.constant 2 : i32
        %broadcast_in_dim3A_75 = vector.broadcast %broadcast_in_dim3A_74 : i32 to vector<16xi32>
        %gather3A_76 = tpu.vector_load_idx %arg10[%broadcast_in_dim3A, %broadcast_in_dim3A_75] : memref<128x16xf32, #tpu.memory_space<vmem>>[vector<16xi32>, vector<16xi32>], vector<16xf32>,
        %gather3A_77 = tpu.vector_load_idx %arg11[%broadcast_in_dim3A, %broadcast_in_dim3A_75] : memref<128x16xf32, #tpu.memory_space<vmem>>[vector<16xi32>, vector<16xi32>], vector<16xf32>,
        %mul3A_78 = arith.mulf %gather3A_76, %gather3A_77 : vector<16xf32>
        %get3A_79 = arith.index_cast %scan3A_53 : i32 to index
        %get3A_80 = arith.constant 32 : index
        %get3A_81 = tpu.vector_load %arg12[%get3A_79, %get3A_80] {strides = array<i32>} : memref<128x128xf32, #tpu.memory_space<vmem>>, vector<16xf32>,
        %mul3A_82 = arith.mulf %mul3A_78, %get3A_81 : vector<16xf32>
        %add3A_83 = arith.addf %add3A_73, %mul3A_82 : vector<16xf32>
        %broadcast_in_dim3A_84 = arith.constant 3 : i32
        %broadcast_in_dim3A_85 = vector.broadcast %broadcast_in_dim3A_84 : i32 to vector<16xi32>
        %gather3A_86 = tpu.vector_load_idx %arg10[%broadcast_in_dim3A, %broadcast_in_dim3A_85] : memref<128x16xf32, #tpu.memory_space<vmem>>[vector<16xi32>, vector<16xi32>], vector<16xf32>,
        %gather3A_87 = tpu.vector_load_idx %arg11[%broadcast_in_dim3A, %broadcast_in_dim3A_85] : memref<128x16xf32, #tpu.memory_space<vmem>>[vector<16xi32>, vector<16xi32>], vector<16xf32>,
        %mul3A_88 = arith.mulf %gather3A_86, %gather3A_87 : vector<16xf32>
        %get3A_89 = arith.index_cast %scan3A_53 : i32 to index
        %get3A_90 = arith.constant 48 : index
        %get3A_91 = tpu.vector_load %arg12[%get3A_89, %get3A_90] {strides = array<i32>} : memref<128x128xf32, #tpu.memory_space<vmem>>, vector<16xf32>,
        %mul3A_92 = arith.mulf %mul3A_88, %get3A_91 : vector<16xf32>
        %add3A_93 = arith.addf %add3A_83, %mul3A_92 : vector<16xf32>
        %broadcast_in_dim3A_94 = arith.constant 4 : i32
        %broadcast_in_dim3A_95 = vector.broadcast %broadcast_in_dim3A_94 : i32 to vector<16xi32>
        %gather3A_96 = tpu.vector_load_idx %arg10[%broadcast_in_dim3A, %broadcast_in_dim3A_95] : memref<128x16xf32, #tpu.memory_space<vmem>>[vector<16xi32>, vector<16xi32>], vector<16xf32>,
        %gather3A_97 = tpu.vector_load_idx %arg11[%broadcast_in_dim3A, %broadcast_in_dim3A_95] : memref<128x16xf32, #tpu.memory_space<vmem>>[vector<16xi32>, vector<16xi32>], vector<16xf32>,
        %mul3A_98 = arith.mulf %gather3A_96, %gather3A_97 : vector<16xf32>
        %get3A_99 = arith.index_cast %scan3A_53 : i32 to index
        %get3A_100 = arith.constant 64 : index
        %get3A_101 = tpu.vector_load %arg12[%get3A_99, %get3A_100] {strides = array<i32>} : memref<128x128xf32, #tpu.memory_space<vmem>>, vector<16xf32>,
        %mul3A_102 = arith.mulf %mul3A_98, %get3A_101 : vector<16xf32>
        %add3A_103 = arith.addf %add3A_93, %mul3A_102 : vector<16xf32>
        %broadcast_in_dim3A_104 = arith.constant 5 : i32
        %broadcast_in_dim3A_105 = vector.broadcast %broadcast_in_dim3A_104 : i32 to vector<16xi32>
        %gather3A_106 = tpu.vector_load_idx %arg10[%broadcast_in_dim3A, %broadcast_in_dim3A_105] : memref<128x16xf32, #tpu.memory_space<vmem>>[vector<16xi32>, vector<16xi32>], vector<16xf32>,
        %gather3A_107 = tpu.vector_load_idx %arg11[%broadcast_in_dim3A, %broadcast_in_dim3A_105] : memref<128x16xf32, #tpu.memory_space<vmem>>[vector<16xi32>, vector<16xi32>], vector<16xf32>,
        %mul3A_108 = arith.mulf %gather3A_106, %gather3A_107 : vector<16xf32>
        %get3A_109 = arith.index_cast %scan3A_53 : i32 to index
        %get3A_110 = arith.constant 80 : index
        %get3A_111 = tpu.vector_load %arg12[%get3A_109, %get3A_110] {strides = array<i32>} : memref<128x128xf32, #tpu.memory_space<vmem>>, vector<16xf32>,
        %mul3A_112 = arith.mulf %mul3A_108, %get3A_111 : vector<16xf32>
        %add3A_113 = arith.addf %add3A_103, %mul3A_112 : vector<16xf32>
        %broadcast_in_dim3A_114 = arith.constant 6 : i32
        %broadcast_in_dim3A_115 = vector.broadcast %broadcast_in_dim3A_114 : i32 to vector<16xi32>
        %gather3A_116 = tpu.vector_load_idx %arg10[%broadcast_in_dim3A, %broadcast_in_dim3A_115] : memref<128x16xf32, #tpu.memory_space<vmem>>[vector<16xi32>, vector<16xi32>], vector<16xf32>,
        %gather3A_117 = tpu.vector_load_idx %arg11[%broadcast_in_dim3A, %broadcast_in_dim3A_115] : memref<128x16xf32, #tpu.memory_space<vmem>>[vector<16xi32>, vector<16xi32>], vector<16xf32>,
        %mul3A_118 = arith.mulf %gather3A_116, %gather3A_117 : vector<16xf32>
        %get3A_119 = arith.index_cast %scan3A_53 : i32 to index
        %get3A_120 = arith.constant 96 : index
        %get3A_121 = tpu.vector_load %arg12[%get3A_119, %get3A_120] {strides = array<i32>} : memref<128x128xf32, #tpu.memory_space<vmem>>, vector<16xf32>,
        %mul3A_122 = arith.mulf %mul3A_118, %get3A_121 : vector<16xf32>
        %add3A_123 = arith.addf %add3A_113, %mul3A_122 : vector<16xf32>
        %broadcast_in_dim3A_124 = arith.constant 7 : i32
        %broadcast_in_dim3A_125 = vector.broadcast %broadcast_in_dim3A_124 : i32 to vector<16xi32>
        %gather3A_126 = tpu.vector_load_idx %arg10[%broadcast_in_dim3A, %broadcast_in_dim3A_125] : memref<128x16xf32, #tpu.memory_space<vmem>>[vector<16xi32>, vector<16xi32>], vector<16xf32>,
        %gather3A_127 = tpu.vector_load_idx %arg11[%broadcast_in_dim3A, %broadcast_in_dim3A_125] : memref<128x16xf32, #tpu.memory_space<vmem>>[vector<16xi32>, vector<16xi32>], vector<16xf32>,
        %mul3A_128 = arith.mulf %gather3A_126, %gather3A_127 : vector<16xf32>
        %get3A_129 = arith.index_cast %scan3A_53 : i32 to index
        %get3A_130 = arith.constant 112 : index
        %get3A_131 = tpu.vector_load %arg12[%get3A_129, %get3A_130] {strides = array<i32>} : memref<128x128xf32, #tpu.memory_space<vmem>>, vector<16xf32>,
        %mul3A_132 = arith.mulf %mul3A_128, %get3A_131 : vector<16xf32>
        %add3A_133 = arith.addf %add3A_123, %mul3A_132 : vector<16xf32>
        %swap3A = arith.index_cast %scan3A_53 : i32 to index
        %swap3A_134 = arith.constant 0 : index
        %swap3A_135 = tpu.vector_load %arg13[%swap3A, %swap3A_134] {strides = array<i32>} : memref<128x16xf32, #tpu.memory_space<vmem>>, vector<16xf32>,
        tpu.vector_store %arg13[%swap3A, %swap3A_134], %add3A_133 {strides = array<i32>} : memref<128x16xf32, #tpu.memory_space<vmem>>, vector<16xf32>,
      }
      %scan3A_52 = arith.constant 128 : i32
      "tpu.region"() ({
        %run_scoped3A = tpu.sem_alloc : memref<!tpu.dma_semaphore, #tpu.memory_space<semaphore_mem>>
        %dma_start3A_53 = arith.constant 0 : i32
        %dma_start3A_54 = arith.constant 0 : i32
        %dma_start3A_55 = tpu.memref_slice %arg16[%dma_start3A_53, %dma_start3A_54] : memref<100352x16xf32, #tpu.memory_space<vmem_shared>> -> memref<100352x16xf32, #tpu.memory_space<vmem_shared>>
        tpu.enqueue_indirect_dma source(%arg13 : memref<128x16xf32, #tpu.memory_space<vmem>>) target(%dma_start3A_55 : memref<100352x16xf32, #tpu.memory_space<vmem_shared>>) offsets(%arg9 : memref<128xi32, #tpu.memory_space<vmem>>) semaphore(%run_scoped3A : memref<!tpu.dma_semaphore, #tpu.memory_space<semaphore_mem>>) {add = true}
        %dma_wait3A_56 = arith.constant 0 : i32
        %dma_wait3A_57 = arith.constant 0 : i32
        %dma_wait3A_58 = tpu.memref_slice %arg16[%dma_wait3A_56, %dma_wait3A_57] : memref<100352x16xf32, #tpu.memory_space<vmem_shared>> -> memref<100352x16xf32, #tpu.memory_space<vmem_shared>>
        tpu.wait_indirect_dma semaphore(%run_scoped3A : memref<!tpu.dma_semaphore, #tpu.memory_space<semaphore_mem>>) src(%arg13 : memref<128x16xf32, #tpu.memory_space<vmem>>) dst(%dma_wait3A_58 : memref<100352x16xf32, #tpu.memory_space<vmem_shared>>)
        tpu.yield
      }) : () -> ()
    }
    %scan3A_17 = arith.constant 391 : i32
    %barrier3A_18 = arith.constant 0 : index
    tpu.barrier barrier_id(%barrier3A_18)
    %mul3A_19 = arith.constant 6272 : i32
    %mul3A_20 = arith.muli %arg1, %mul3A_19 : i32
    %mul3A_21 = arith.constant 6272 : i32
    %mul3A_22 = arith.muli %arg1, %mul3A_21 : i32
    "tpu.region"() ({
      %run_scoped3A = tpu.sem_alloc : memref<!tpu.dma_semaphore, #tpu.memory_space<semaphore_mem>>
      %dma_start3A = arith.constant 0 : i32
      %dma_start3A_23 = tpu.memref_slice %arg7[%arg0, %mul3A_22, %dma_start3A] : memref<2x100352x16xf32, #tpu.memory_space<hbm>> -> memref<1x6272x16xf32, #tpu.memory_space<hbm>>
      %dma_start3A_24 = tpu.memref_squeeze %dma_start3A_23 : memref<1x6272x16xf32, #tpu.memory_space<hbm>> -> memref<6272x16xf32, #tpu.memory_space<hbm>>
      %dma_start3A_25 = arith.constant 0 : i32
      %dma_start3A_26 = tpu.memref_slice %arg16[%mul3A_20, %dma_start3A_25] : memref<100352x16xf32, #tpu.memory_space<vmem_shared>> -> memref<6272x16xf32, #tpu.memory_space<vmem_shared>>
      tpu.enqueue_dma source(%dma_start3A_26 : memref<6272x16xf32, #tpu.memory_space<vmem_shared>>) target(%dma_start3A_24 : memref<6272x16xf32, #tpu.memory_space<hbm>>) target_semaphore(%run_scoped3A : memref<!tpu.dma_semaphore, #tpu.memory_space<semaphore_mem>>)
      %dma_wait3A = arith.constant 0 : i32
      %dma_wait3A_27 = tpu.memref_slice %arg7[%arg0, %mul3A_22, %dma_wait3A] : memref<2x100352x16xf32, #tpu.memory_space<hbm>> -> memref<1x6272x16xf32, #tpu.memory_space<hbm>>
      %dma_wait3A_28 = tpu.memref_squeeze %dma_wait3A_27 : memref<1x6272x16xf32, #tpu.memory_space<hbm>> -> memref<6272x16xf32, #tpu.memory_space<hbm>>
      %dma_wait3A_29 = arith.constant 0 : i32
      %dma_wait3A_30 = tpu.memref_slice %arg16[%mul3A_20, %dma_wait3A_29] : memref<100352x16xf32, #tpu.memory_space<vmem_shared>> -> memref<6272x16xf32, #tpu.memory_space<vmem_shared>>
      tpu.wait_dma2 semaphore(%run_scoped3A : memref<!tpu.dma_semaphore, #tpu.memory_space<semaphore_mem>>) src(%dma_wait3A_30 : memref<6272x16xf32, #tpu.memory_space<vmem_shared>>) dst(%dma_wait3A_28 : memref<6272x16xf32, #tpu.memory_space<hbm>>)
      tpu.yield
    }) : () -> ()
    return
  }
}

#map = affine_map<(d0, d1) -> (0)>
#map1 = affine_map<(d0, d1) -> (0, 0)>
#map2 = affine_map<(d0, d1) -> (0, 0, 0)>
module attributes {stable_mosaic.version = 14 : i64} {
  func.func @_passA_body(%arg0: i32, %arg1: i32, %arg2: memref<1601536xi32, #tpu.memory_space<hbm>>, %arg3: memref<1601536xi32, #tpu.memory_space<hbm>>, %arg4: memref<100352x16xf32, #tpu.memory_space<hbm>>, %arg5: memref<100352x16xf32, #tpu.memory_space<hbm>>, %arg6: memref<2x100352x16xf32, #tpu.memory_space<hbm>>, %arg7: memref<1601536x16xf32, #tpu.memory_space<hbm>>, %arg8: memref<128xi32, #tpu.memory_space<vmem>>, %arg9: memref<128xi32, #tpu.memory_space<vmem>>, %arg10: memref<128x16xf32, #tpu.memory_space<vmem>>, %arg11: memref<128x16xf32, #tpu.memory_space<vmem>>, %arg12: memref<128x16xf32, #tpu.memory_space<vmem>>, %arg13: memref<98x16xf32, #tpu.memory_space<vmem>>, %arg14: memref<100352x16xf32, #tpu.memory_space<vmem_shared>>, %arg15: memref<!tpu.dma_semaphore, #tpu.memory_space<semaphore_mem>>, %arg16: memref<!tpu.dma_semaphore, #tpu.memory_space<semaphore_mem>>) attributes {dimension_semantics = [#tpu.dimension_semantics<core_parallel>, #tpu.dimension_semantics<subcore_parallel>], iteration_bounds = array<i64: 2, 16>, scalar_prefetch = 0 : i64, scratch_operands = 9 : i64, tpu.core_type = #tpu.core_type<sc_vector_subcore>, window_params = [{transform_indices = #map}, {transform_indices = #map}, {transform_indices = #map1}, {transform_indices = #map1}, {transform_indices = #map2}, {transform_indices = #map1}]} {
    %mul3A = arith.constant 16 : i32
    %mul3A_0 = arith.muli %arg0, %mul3A : i32
    %add3A = arith.addi %mul3A_0, %arg1 : i32
    %scan3A = arith.constant 0 : i32
    %scan3A_1 = arith.constant 0 : i32
    %scan3A_2 = arith.constant 98 : i32
    %scan3A_3 = arith.addi %scan3A_1, %scan3A_2 : i32
    %scan3A_4 = arith.constant 1 : i32
    scf.for %scan3A_23 = %scan3A_1 to %scan3A_3 step %scan3A_4  : i32 {
      %broadcast_in_dim3A = arith.constant 0.000000e+00 : f32
      %broadcast_in_dim3A_24 = vector.broadcast %broadcast_in_dim3A : f32 to vector<16xf32>
      %swap3A = arith.index_cast %scan3A_23 : i32 to index
      %swap3A_25 = arith.constant 0 : index
      %swap3A_26 = tpu.vector_load %arg13[%swap3A, %swap3A_25] {strides = array<i32>} : memref<98x16xf32, #tpu.memory_space<vmem>>, vector<16xf32>,
      tpu.vector_store %arg13[%swap3A, %swap3A_25], %broadcast_in_dim3A_24 {strides = array<i32>} : memref<98x16xf32, #tpu.memory_space<vmem>>, vector<16xf32>,
    }
    %scan3A_5 = arith.constant 98 : i32
    %scan3A_6 = arith.constant 0 : i32
    %scan3A_7 = arith.constant 0 : i32
    %scan3A_8 = arith.constant 64 : i32
    %scan3A_9 = arith.addi %scan3A_7, %scan3A_8 : i32
    %scan3A_10 = arith.constant 1 : i32
    scf.for %scan3A_23 = %scan3A_7 to %scan3A_9 step %scan3A_10  : i32 {
      %mul3A_24 = arith.constant 6272 : i32
      %mul3A_25 = arith.muli %arg1, %mul3A_24 : i32
      %mul3A_26 = arith.constant 98 : i32
      %mul3A_27 = arith.muli %scan3A_23, %mul3A_26 : i32
      %add3A_28 = arith.addi %mul3A_25, %mul3A_27 : i32
      "tpu.region"() ({
        %run_scoped3A = tpu.sem_alloc : memref<!tpu.dma_semaphore, #tpu.memory_space<semaphore_mem>>
        %dma_start3A = arith.constant 0 : i32
        %dma_start3A_29 = tpu.memref_slice %arg14[%add3A_28, %dma_start3A] : memref<100352x16xf32, #tpu.memory_space<vmem_shared>> -> memref<98x16xf32, #tpu.memory_space<vmem_shared>>
        %dma_start3A_30 = arith.constant 0 : i32
        %dma_start3A_31 = tpu.memref_slice %arg14[%add3A_28, %dma_start3A_30] : memref<100352x16xf32, #tpu.memory_space<vmem_shared>> -> memref<98x16xf32, #tpu.memory_space<vmem_shared>>
        tpu.enqueue_dma source(%arg13 : memref<98x16xf32, #tpu.memory_space<vmem>>) target(%dma_start3A_31 : memref<98x16xf32, #tpu.memory_space<vmem_shared>>) target_semaphore(%run_scoped3A : memref<!tpu.dma_semaphore, #tpu.memory_space<semaphore_mem>>)
        %dma_wait3A = arith.constant 0 : i32
        %dma_wait3A_32 = tpu.memref_slice %arg14[%add3A_28, %dma_wait3A] : memref<100352x16xf32, #tpu.memory_space<vmem_shared>> -> memref<98x16xf32, #tpu.memory_space<vmem_shared>>
        %dma_wait3A_33 = arith.constant 0 : i32
        %dma_wait3A_34 = tpu.memref_slice %arg14[%add3A_28, %dma_wait3A_33] : memref<100352x16xf32, #tpu.memory_space<vmem_shared>> -> memref<98x16xf32, #tpu.memory_space<vmem_shared>>
        tpu.wait_dma2 semaphore(%run_scoped3A : memref<!tpu.dma_semaphore, #tpu.memory_space<semaphore_mem>>) src(%arg13 : memref<98x16xf32, #tpu.memory_space<vmem>>) dst(%dma_wait3A_34 : memref<98x16xf32, #tpu.memory_space<vmem_shared>>)
        tpu.yield
      }) : () -> ()
    }
    %scan3A_11 = arith.constant 64 : i32
    %barrier3A = arith.constant 0 : index
    tpu.barrier barrier_id(%barrier3A)
    %scan3A_12 = arith.constant 0 : i32
    %scan3A_13 = arith.constant 0 : i32
    %scan3A_14 = arith.constant 391 : i32
    %scan3A_15 = arith.addi %scan3A_13, %scan3A_14 : i32
    %scan3A_16 = arith.constant 1 : i32
    scf.for %scan3A_23 = %scan3A_13 to %scan3A_15 step %scan3A_16  : i32 {
      %mul3A_24 = arith.constant 32 : i32
      %mul3A_25 = arith.muli %scan3A_23, %mul3A_24 : i32
      %add3A_26 = arith.addi %mul3A_25, %add3A : i32
      %mul3A_27 = arith.constant 128 : i32
      %mul3A_28 = arith.muli %add3A_26, %mul3A_27 : i32
      "tpu.region"() ({
        %run_scoped3A = tpu.sem_alloc : memref<!tpu.dma_semaphore, #tpu.memory_space<semaphore_mem>>
        %dma_start3A_45 = tpu.memref_slice %arg2[%mul3A_28] : memref<1601536xi32, #tpu.memory_space<hbm>> -> memref<128xi32, #tpu.memory_space<hbm>>
        %dma_start3A_46 = tpu.memref_slice %arg2[%mul3A_28] : memref<1601536xi32, #tpu.memory_space<hbm>> -> memref<128xi32, #tpu.memory_space<hbm>>
        tpu.enqueue_dma source(%dma_start3A_46 : memref<128xi32, #tpu.memory_space<hbm>>) target(%arg8 : memref<128xi32, #tpu.memory_space<vmem>>) target_semaphore(%run_scoped3A : memref<!tpu.dma_semaphore, #tpu.memory_space<semaphore_mem>>)
        %dma_wait3A_47 = tpu.memref_slice %arg2[%mul3A_28] : memref<1601536xi32, #tpu.memory_space<hbm>> -> memref<128xi32, #tpu.memory_space<hbm>>
        %dma_wait3A_48 = tpu.memref_slice %arg2[%mul3A_28] : memref<1601536xi32, #tpu.memory_space<hbm>> -> memref<128xi32, #tpu.memory_space<hbm>>
        tpu.wait_dma2 semaphore(%run_scoped3A : memref<!tpu.dma_semaphore, #tpu.memory_space<semaphore_mem>>) src(%dma_wait3A_48 : memref<128xi32, #tpu.memory_space<hbm>>) dst(%arg8 : memref<128xi32, #tpu.memory_space<vmem>>)
        tpu.yield
      }) : () -> ()
      "tpu.region"() ({
        %run_scoped3A = tpu.sem_alloc : memref<!tpu.dma_semaphore, #tpu.memory_space<semaphore_mem>>
        %dma_start3A_45 = tpu.memref_slice %arg3[%mul3A_28] : memref<1601536xi32, #tpu.memory_space<hbm>> -> memref<128xi32, #tpu.memory_space<hbm>>
        %dma_start3A_46 = tpu.memref_slice %arg3[%mul3A_28] : memref<1601536xi32, #tpu.memory_space<hbm>> -> memref<128xi32, #tpu.memory_space<hbm>>
        tpu.enqueue_dma source(%dma_start3A_46 : memref<128xi32, #tpu.memory_space<hbm>>) target(%arg9 : memref<128xi32, #tpu.memory_space<vmem>>) target_semaphore(%run_scoped3A : memref<!tpu.dma_semaphore, #tpu.memory_space<semaphore_mem>>)
        %dma_wait3A_47 = tpu.memref_slice %arg3[%mul3A_28] : memref<1601536xi32, #tpu.memory_space<hbm>> -> memref<128xi32, #tpu.memory_space<hbm>>
        %dma_wait3A_48 = tpu.memref_slice %arg3[%mul3A_28] : memref<1601536xi32, #tpu.memory_space<hbm>> -> memref<128xi32, #tpu.memory_space<hbm>>
        tpu.wait_dma2 semaphore(%run_scoped3A : memref<!tpu.dma_semaphore, #tpu.memory_space<semaphore_mem>>) src(%dma_wait3A_48 : memref<128xi32, #tpu.memory_space<hbm>>) dst(%arg9 : memref<128xi32, #tpu.memory_space<vmem>>)
        tpu.yield
      }) : () -> ()
      %dma_start3A = arith.constant 0 : i32
      %dma_start3A_29 = arith.constant 0 : i32
      %dma_start3A_30 = tpu.memref_slice %arg4[%dma_start3A, %dma_start3A_29] : memref<100352x16xf32, #tpu.memory_space<hbm>> -> memref<100352x16xf32, #tpu.memory_space<hbm>>
      tpu.enqueue_indirect_dma source(%dma_start3A_30 : memref<100352x16xf32, #tpu.memory_space<hbm>>) target(%arg10 : memref<128x16xf32, #tpu.memory_space<vmem>>) offsets(%arg8 : memref<128xi32, #tpu.memory_space<vmem>>) semaphore(%arg15 : memref<!tpu.dma_semaphore, #tpu.memory_space<semaphore_mem>>)
      %dma_start3A_31 = arith.constant 0 : i32
      %dma_start3A_32 = arith.constant 0 : i32
      %dma_start3A_33 = tpu.memref_slice %arg5[%dma_start3A_31, %dma_start3A_32] : memref<100352x16xf32, #tpu.memory_space<hbm>> -> memref<100352x16xf32, #tpu.memory_space<hbm>>
      tpu.enqueue_indirect_dma source(%dma_start3A_33 : memref<100352x16xf32, #tpu.memory_space<hbm>>) target(%arg11 : memref<128x16xf32, #tpu.memory_space<vmem>>) offsets(%arg9 : memref<128xi32, #tpu.memory_space<vmem>>) semaphore(%arg16 : memref<!tpu.dma_semaphore, #tpu.memory_space<semaphore_mem>>)
      %dma_wait3A = arith.constant 0 : i32
      %dma_wait3A_34 = arith.constant 0 : i32
      %dma_wait3A_35 = tpu.memref_slice %arg4[%dma_wait3A, %dma_wait3A_34] : memref<100352x16xf32, #tpu.memory_space<hbm>> -> memref<100352x16xf32, #tpu.memory_space<hbm>>
      tpu.wait_indirect_dma semaphore(%arg15 : memref<!tpu.dma_semaphore, #tpu.memory_space<semaphore_mem>>) src(%dma_wait3A_35 : memref<100352x16xf32, #tpu.memory_space<hbm>>) dst(%arg10 : memref<128x16xf32, #tpu.memory_space<vmem>>)
      %dma_wait3A_36 = arith.constant 0 : i32
      %dma_wait3A_37 = arith.constant 0 : i32
      %dma_wait3A_38 = tpu.memref_slice %arg5[%dma_wait3A_36, %dma_wait3A_37] : memref<100352x16xf32, #tpu.memory_space<hbm>> -> memref<100352x16xf32, #tpu.memory_space<hbm>>
      tpu.wait_indirect_dma semaphore(%arg16 : memref<!tpu.dma_semaphore, #tpu.memory_space<semaphore_mem>>) src(%dma_wait3A_38 : memref<100352x16xf32, #tpu.memory_space<hbm>>) dst(%arg11 : memref<128x16xf32, #tpu.memory_space<vmem>>)
      %scan3A_39 = arith.constant 0 : i32
      %scan3A_40 = arith.constant 0 : i32
      %scan3A_41 = arith.constant 128 : i32
      %scan3A_42 = arith.addi %scan3A_40, %scan3A_41 : i32
      %scan3A_43 = arith.constant 1 : i32
      scf.for %scan3A_45 = %scan3A_40 to %scan3A_42 step %scan3A_43  : i32 {
        %get3A = arith.index_cast %scan3A_45 : i32 to index
        %get3A_46 = arith.constant 0 : index
        %get3A_47 = tpu.vector_load %arg10[%get3A, %get3A_46] {strides = array<i32>} : memref<128x16xf32, #tpu.memory_space<vmem>>, vector<16xf32>,
        %get3A_48 = arith.index_cast %scan3A_45 : i32 to index
        %get3A_49 = arith.constant 0 : index
        %get3A_50 = tpu.vector_load %arg11[%get3A_48, %get3A_49] {strides = array<i32>} : memref<128x16xf32, #tpu.memory_space<vmem>>, vector<16xf32>,
        %add3A_51 = arith.addf %get3A_47, %get3A_50 : vector<16xf32>
        %ge3A = arith.constant 0.000000e+00 : f32
        %ge3A_52 = vector.broadcast %ge3A : f32 to vector<16xf32>
        %ge3A_53 = arith.cmpf oge, %add3A_51, %ge3A_52 : vector<16xf32>
        %mul3A_54 = arith.constant 2.000000e-01 : f32
        %mul3A_55 = vector.broadcast %mul3A_54 : f32 to vector<16xf32>
        %mul3A_56 = arith.mulf %mul3A_55, %add3A_51 : vector<16xf32>
        %select_n3A = arith.select %ge3A_53, %add3A_51, %mul3A_56 : vector<16xi1>, vector<16xf32>
        %exp3A = math.exp %select_n3A : vector<16xf32>
        %swap3A = arith.index_cast %scan3A_45 : i32 to index
        %swap3A_57 = arith.constant 0 : index
        %swap3A_58 = tpu.vector_load %arg12[%swap3A, %swap3A_57] {strides = array<i32>} : memref<128x16xf32, #tpu.memory_space<vmem>>, vector<16xf32>,
        tpu.vector_store %arg12[%swap3A, %swap3A_57], %exp3A {strides = array<i32>} : memref<128x16xf32, #tpu.memory_space<vmem>>, vector<16xf32>,
      }
      %scan3A_44 = arith.constant 128 : i32
      "tpu.region"() ({
        %run_scoped3A = tpu.sem_alloc : memref<!tpu.dma_semaphore, #tpu.memory_space<semaphore_mem>>
        %dma_start3A_45 = arith.constant 0 : i32
        %dma_start3A_46 = tpu.memref_slice %arg7[%mul3A_28, %dma_start3A_45] : memref<1601536x16xf32, #tpu.memory_space<hbm>> -> memref<128x16xf32, #tpu.memory_space<hbm>>
        %dma_start3A_47 = arith.constant 0 : i32
        %dma_start3A_48 = tpu.memref_slice %arg7[%mul3A_28, %dma_start3A_47] : memref<1601536x16xf32, #tpu.memory_space<hbm>> -> memref<128x16xf32, #tpu.memory_space<hbm>>
        tpu.enqueue_dma source(%arg12 : memref<128x16xf32, #tpu.memory_space<vmem>>) target(%dma_start3A_48 : memref<128x16xf32, #tpu.memory_space<hbm>>) target_semaphore(%run_scoped3A : memref<!tpu.dma_semaphore, #tpu.memory_space<semaphore_mem>>)
        %dma_wait3A_49 = arith.constant 0 : i32
        %dma_wait3A_50 = tpu.memref_slice %arg7[%mul3A_28, %dma_wait3A_49] : memref<1601536x16xf32, #tpu.memory_space<hbm>> -> memref<128x16xf32, #tpu.memory_space<hbm>>
        %dma_wait3A_51 = arith.constant 0 : i32
        %dma_wait3A_52 = tpu.memref_slice %arg7[%mul3A_28, %dma_wait3A_51] : memref<1601536x16xf32, #tpu.memory_space<hbm>> -> memref<128x16xf32, #tpu.memory_space<hbm>>
        tpu.wait_dma2 semaphore(%run_scoped3A : memref<!tpu.dma_semaphore, #tpu.memory_space<semaphore_mem>>) src(%arg12 : memref<128x16xf32, #tpu.memory_space<vmem>>) dst(%dma_wait3A_52 : memref<128x16xf32, #tpu.memory_space<hbm>>)
        tpu.yield
      }) : () -> ()
      "tpu.region"() ({
        %run_scoped3A = tpu.sem_alloc : memref<!tpu.dma_semaphore, #tpu.memory_space<semaphore_mem>>
        %dma_start3A_45 = arith.constant 0 : i32
        %dma_start3A_46 = arith.constant 0 : i32
        %dma_start3A_47 = tpu.memref_slice %arg14[%dma_start3A_45, %dma_start3A_46] : memref<100352x16xf32, #tpu.memory_space<vmem_shared>> -> memref<100352x16xf32, #tpu.memory_space<vmem_shared>>
        tpu.enqueue_indirect_dma source(%arg12 : memref<128x16xf32, #tpu.memory_space<vmem>>) target(%dma_start3A_47 : memref<100352x16xf32, #tpu.memory_space<vmem_shared>>) offsets(%arg9 : memref<128xi32, #tpu.memory_space<vmem>>) semaphore(%run_scoped3A : memref<!tpu.dma_semaphore, #tpu.memory_space<semaphore_mem>>) {add = true}
        %dma_wait3A_48 = arith.constant 0 : i32
        %dma_wait3A_49 = arith.constant 0 : i32
        %dma_wait3A_50 = tpu.memref_slice %arg14[%dma_wait3A_48, %dma_wait3A_49] : memref<100352x16xf32, #tpu.memory_space<vmem_shared>> -> memref<100352x16xf32, #tpu.memory_space<vmem_shared>>
        tpu.wait_indirect_dma semaphore(%run_scoped3A : memref<!tpu.dma_semaphore, #tpu.memory_space<semaphore_mem>>) src(%arg12 : memref<128x16xf32, #tpu.memory_space<vmem>>) dst(%dma_wait3A_50 : memref<100352x16xf32, #tpu.memory_space<vmem_shared>>)
        tpu.yield
      }) : () -> ()
    }
    %scan3A_17 = arith.constant 391 : i32
    %barrier3A_18 = arith.constant 0 : index
    tpu.barrier barrier_id(%barrier3A_18)
    %mul3A_19 = arith.constant 6272 : i32
    %mul3A_20 = arith.muli %arg1, %mul3A_19 : i32
    %mul3A_21 = arith.constant 6272 : i32
    %mul3A_22 = arith.muli %arg1, %mul3A_21 : i32
    "tpu.region"() ({
      %run_scoped3A = tpu.sem_alloc : memref<!tpu.dma_semaphore, #tpu.memory_space<semaphore_mem>>
      %dma_start3A = arith.constant 0 : i32
      %dma_start3A_23 = tpu.memref_slice %arg6[%arg0, %mul3A_22, %dma_start3A] : memref<2x100352x16xf32, #tpu.memory_space<hbm>> -> memref<1x6272x16xf32, #tpu.memory_space<hbm>>
      %dma_start3A_24 = tpu.memref_squeeze %dma_start3A_23 : memref<1x6272x16xf32, #tpu.memory_space<hbm>> -> memref<6272x16xf32, #tpu.memory_space<hbm>>
      %dma_start3A_25 = arith.constant 0 : i32
      %dma_start3A_26 = tpu.memref_slice %arg14[%mul3A_20, %dma_start3A_25] : memref<100352x16xf32, #tpu.memory_space<vmem_shared>> -> memref<6272x16xf32, #tpu.memory_space<vmem_shared>>
      tpu.enqueue_dma source(%dma_start3A_26 : memref<6272x16xf32, #tpu.memory_space<vmem_shared>>) target(%dma_start3A_24 : memref<6272x16xf32, #tpu.memory_space<hbm>>) target_semaphore(%run_scoped3A : memref<!tpu.dma_semaphore, #tpu.memory_space<semaphore_mem>>)
      %dma_wait3A = arith.constant 0 : i32
      %dma_wait3A_27 = tpu.memref_slice %arg6[%arg0, %mul3A_22, %dma_wait3A] : memref<2x100352x16xf32, #tpu.memory_space<hbm>> -> memref<1x6272x16xf32, #tpu.memory_space<hbm>>
      %dma_wait3A_28 = tpu.memref_squeeze %dma_wait3A_27 : memref<1x6272x16xf32, #tpu.memory_space<hbm>> -> memref<6272x16xf32, #tpu.memory_space<hbm>>
      %dma_wait3A_29 = arith.constant 0 : i32
      %dma_wait3A_30 = tpu.memref_slice %arg14[%mul3A_20, %dma_wait3A_29] : memref<100352x16xf32, #tpu.memory_space<vmem_shared>> -> memref<6272x16xf32, #tpu.memory_space<vmem_shared>>
      tpu.wait_dma2 semaphore(%run_scoped3A : memref<!tpu.dma_semaphore, #tpu.memory_space<semaphore_mem>>) src(%dma_wait3A_30 : memref<6272x16xf32, #tpu.memory_space<vmem_shared>>) dst(%dma_wait3A_28 : memref<6272x16xf32, #tpu.memory_space<hbm>>)
      tpu.yield
    }) : () -> ()
    return
  }
}

module attributes {stable_mosaic.version = 14 : i64} {
  func.func @_k1_body(%arg0: i32, %arg1: memref<2000x32xf32, #tpu.memory_space<vmem>>, %arg2: memref<32x128xf32, #tpu.memory_space<vmem>>, %arg3: memref<1x128xf32, #tpu.memory_space<vmem>>, %arg4: memref<1x128xf32, #tpu.memory_space<vmem>>, %arg5: memref<128x16xf32, #tpu.memory_space<vmem>>, %arg6: memref<2000x128xf32, #tpu.memory_space<vmem>>, %arg7: memref<2000x16xf32, #tpu.memory_space<vmem>>, %arg8: memref<2000x16xf32, #tpu.memory_space<vmem>>) attributes {dimension_semantics = [#tpu.dimension_semantics<arbitrary>], iteration_bounds = array<i64: 50>, scalar_prefetch = 0 : i64, scratch_operands = 0 : i64, tpu.core_type = #tpu.core_type<tc>, window_params = [{transform_indices = @transform_0, window_bounds = array<i64: 2000, 32>}, {pipeline_mode = #tpu.pipeline_mode<synchronous>, transform_indices = @transform_1, window_bounds = array<i64: 32, 128>}, {pipeline_mode = #tpu.pipeline_mode<synchronous>, transform_indices = @transform_2, window_bounds = array<i64: 1, 128>}, {pipeline_mode = #tpu.pipeline_mode<synchronous>, transform_indices = @transform_3, window_bounds = array<i64: 1, 128>}, {pipeline_mode = #tpu.pipeline_mode<synchronous>, transform_indices = @transform_4, window_bounds = array<i64: 128, 16>}, {transform_indices = @transform_5, window_bounds = array<i64: 2000, 128>}, {transform_indices = @transform_6, window_bounds = array<i64: 2000, 16>}, {transform_indices = @transform_7, window_bounds = array<i64: 2000, 16>}]} {
    %get3A = arith.constant 0 : index
    %get3A_0 = arith.constant 0 : index
    %get3A_1 = vector.load %arg1[%get3A, %get3A_0] : memref<2000x32xf32, #tpu.memory_space<vmem>>, vector<2000x32xf32>
    %get3A_2 = arith.constant 0 : index
    %get3A_3 = arith.constant 0 : index
    %get3A_4 = vector.load %arg2[%get3A_2, %get3A_3] : memref<32x128xf32, #tpu.memory_space<vmem>>, vector<32x128xf32>
    %dot_general3A = arith.constant dense<0.000000e+00> : vector<2000x128xf32>
    %dot_general3A_5 = tpu.matmul %get3A_1, %get3A_4, %dot_general3A {dimension_numbers = #tpu.dot_dimension_numbers<[1], [0], [0], [1], [0, 0, 1, 1], [], []>, precision = #tpu.contract_precision<fp32>, transpose_lhs_hint = false} : vector<2000x32xf32>, vector<32x128xf32>, vector<2000x128xf32> -> vector<2000x128xf32>
    %swap3A = arith.constant 0 : index
    %swap3A_6 = arith.constant 0 : index
    %swap3A_7 = vector.load %arg6[%swap3A, %swap3A_6] : memref<2000x128xf32, #tpu.memory_space<vmem>>, vector<2000x128xf32>
    tpu.vector_store %arg6[%swap3A, %swap3A_6], %dot_general3A_5 {strides = array<i32>} : memref<2000x128xf32, #tpu.memory_space<vmem>>, vector<2000x128xf32>,
    %get3A_8 = arith.constant 0 : index
    %get3A_9 = arith.constant 0 : index
    %get3A_10 = vector.load %arg3[%get3A_8, %get3A_9] : memref<1x128xf32, #tpu.memory_space<vmem>>, vector<1x128xf32>
    %mul3A = vector.broadcast %get3A_10 : vector<1x128xf32> to vector<2000x128xf32>
    %mul3A_11 = arith.mulf %dot_general3A_5, %mul3A : vector<2000x128xf32>
    %get3A_12 = arith.constant 0 : index
    %get3A_13 = arith.constant 0 : index
    %get3A_14 = vector.load %arg5[%get3A_12, %get3A_13] : memref<128x16xf32, #tpu.memory_space<vmem>>, vector<128x16xf32>
    %dot_general3A_15 = arith.constant dense<0.000000e+00> : vector<2000x16xf32>
    %dot_general3A_16 = tpu.matmul %mul3A_11, %get3A_14, %dot_general3A_15 {dimension_numbers = #tpu.dot_dimension_numbers<[1], [0], [0], [1], [0, 0, 1, 1], [], []>, precision = #tpu.contract_precision<fp32>, transpose_lhs_hint = false} : vector<2000x128xf32>, vector<128x16xf32>, vector<2000x16xf32> -> vector<2000x16xf32>
    %swap3A_17 = arith.constant 0 : index
    %swap3A_18 = arith.constant 0 : index
    %swap3A_19 = vector.load %arg7[%swap3A_17, %swap3A_18] : memref<2000x16xf32, #tpu.memory_space<vmem>>, vector<2000x16xf32>
    tpu.vector_store %arg7[%swap3A_17, %swap3A_18], %dot_general3A_16 {strides = array<i32>} : memref<2000x16xf32, #tpu.memory_space<vmem>>, vector<2000x16xf32>,
    %get3A_20 = arith.constant 0 : index
    %get3A_21 = arith.constant 0 : index
    %get3A_22 = vector.load %arg4[%get3A_20, %get3A_21] : memref<1x128xf32, #tpu.memory_space<vmem>>, vector<1x128xf32>
    %mul3A_23 = vector.broadcast %get3A_22 : vector<1x128xf32> to vector<2000x128xf32>
    %mul3A_24 = arith.mulf %dot_general3A_5, %mul3A_23 : vector<2000x128xf32>
    %get3A_25 = arith.constant 0 : index
    %get3A_26 = arith.constant 0 : index
    %get3A_27 = vector.load %arg5[%get3A_25, %get3A_26] : memref<128x16xf32, #tpu.memory_space<vmem>>, vector<128x16xf32>
    %dot_general3A_28 = arith.constant dense<0.000000e+00> : vector<2000x16xf32>
    %dot_general3A_29 = tpu.matmul %mul3A_24, %get3A_27, %dot_general3A_28 {dimension_numbers = #tpu.dot_dimension_numbers<[1], [0], [0], [1], [0, 0, 1, 1], [], []>, precision = #tpu.contract_precision<fp32>, transpose_lhs_hint = false} : vector<2000x128xf32>, vector<128x16xf32>, vector<2000x16xf32> -> vector<2000x16xf32>
    %swap3A_30 = arith.constant 0 : index
    %swap3A_31 = arith.constant 0 : index
    %swap3A_32 = vector.load %arg8[%swap3A_30, %swap3A_31] : memref<2000x16xf32, #tpu.memory_space<vmem>>, vector<2000x16xf32>
    tpu.vector_store %arg8[%swap3A_30, %swap3A_31], %dot_general3A_29 {strides = array<i32>} : memref<2000x16xf32, #tpu.memory_space<vmem>>, vector<2000x16xf32>,
    return
  }
  func.func @transform_0(%arg0: i32) -> (i32, i32) {
    %c0_i32 = arith.constant 0 : i32
    %c0_i32_0 = arith.constant 0 : i32
    return %arg0, %c0_i32 : i32, i32
  }
  func.func @transform_1(%arg0: i32) -> (i32, i32) {
    %c0_i32 = arith.constant 0 : i32
    %c0_i32_0 = arith.constant 0 : i32
    %c0_i32_1 = arith.constant 0 : i32
    return %c0_i32, %c0_i32_0 : i32, i32
  }
  func.func @transform_2(%arg0: i32) -> (i32, i32) {
    %c0_i32 = arith.constant 0 : i32
    %c0_i32_0 = arith.constant 0 : i32
    %c0_i32_1 = arith.constant 0 : i32
    return %c0_i32, %c0_i32_0 : i32, i32
  }
  func.func @transform_3(%arg0: i32) -> (i32, i32) {
    %c0_i32 = arith.constant 0 : i32
    %c0_i32_0 = arith.constant 0 : i32
    %c0_i32_1 = arith.constant 0 : i32
    return %c0_i32, %c0_i32_0 : i32, i32
  }
  func.func @transform_4(%arg0: i32) -> (i32, i32) {
    %c0_i32 = arith.constant 0 : i32
    %c0_i32_0 = arith.constant 0 : i32
    %c0_i32_1 = arith.constant 0 : i32
    return %c0_i32, %c0_i32_0 : i32, i32
  }
  func.func @transform_5(%arg0: i32) -> (i32, i32) {
    %c0_i32 = arith.constant 0 : i32
    %c0_i32_0 = arith.constant 0 : i32
    return %arg0, %c0_i32 : i32, i32
  }
  func.func @transform_6(%arg0: i32) -> (i32, i32) {
    %c0_i32 = arith.constant 0 : i32
    %c0_i32_0 = arith.constant 0 : i32
    return %arg0, %c0_i32 : i32, i32
  }
  func.func @transform_7(%arg0: i32) -> (i32, i32) {
    %c0_i32 = arith.constant 0 : i32
    %c0_i32_0 = arith.constant 0 : i32
    return %arg0, %c0_i32 : i32, i32
  }
}

module attributes {stable_mosaic.version = 14 : i64} {
  func.func @_k3_body(%arg0: i32, %arg1: memref<2000x128xf32, #tpu.memory_space<vmem>>, %arg2: memref<2000x16xf32, #tpu.memory_space<vmem>>, %arg3: memref<2000x16xf32, #tpu.memory_space<vmem>>, %arg4: memref<2x2000x16xf32, #tpu.memory_space<vmem>>, %arg5: memref<16x128xf32, #tpu.memory_space<vmem>>, %arg6: memref<128x16xf32, #tpu.memory_space<vmem>>, %arg7: memref<2000x16xf32, #tpu.memory_space<vmem>>, %arg8: memref<2000x16xf32, #tpu.memory_space<vmem>>) attributes {dimension_semantics = [#tpu.dimension_semantics<arbitrary>], iteration_bounds = array<i64: 50>, scalar_prefetch = 0 : i64, scratch_operands = 0 : i64, tpu.core_type = #tpu.core_type<tc>, window_params = [{transform_indices = @transform_0, window_bounds = array<i64: 2000, 128>}, {transform_indices = @transform_1, window_bounds = array<i64: 2000, 16>}, {transform_indices = @transform_2, window_bounds = array<i64: 2000, 16>}, {transform_indices = @transform_3, window_bounds = array<i64: 2, 2000, 16>}, {pipeline_mode = #tpu.pipeline_mode<synchronous>, transform_indices = @transform_4, window_bounds = array<i64: 16, 128>}, {pipeline_mode = #tpu.pipeline_mode<synchronous>, transform_indices = @transform_5, window_bounds = array<i64: 128, 16>}, {transform_indices = @transform_6, window_bounds = array<i64: 2000, 16>}, {transform_indices = @transform_7, window_bounds = array<i64: 2000, 16>}]} {
    %get3A = arith.constant 0 : index
    %get3A_0 = arith.constant 0 : index
    %get3A_1 = vector.load %arg2[%get3A, %get3A_0] : memref<2000x16xf32, #tpu.memory_space<vmem>>, vector<2000x16xf32>
    %get3A_2 = arith.constant 0 : index
    %get3A_3 = arith.constant 0 : index
    %get3A_4 = vector.load %arg3[%get3A_2, %get3A_3] : memref<2000x16xf32, #tpu.memory_space<vmem>>, vector<2000x16xf32>
    %add3A = arith.addf %get3A_1, %get3A_4 : vector<2000x16xf32>
    %ge3A = arith.constant 0.000000e+00 : f32
    %ge3A_5 = vector.broadcast %ge3A : f32 to vector<2000x16xf32>
    %ge3A_6 = arith.cmpf oge, %add3A, %ge3A_5 : vector<2000x16xf32>
    %mul3A = arith.constant 2.000000e-01 : f32
    %mul3A_7 = vector.broadcast %mul3A : f32 to vector<2000x16xf32>
    %mul3A_8 = arith.mulf %mul3A_7, %add3A : vector<2000x16xf32>
    %select_n3A = arith.select %ge3A_6, %add3A, %mul3A_8 : vector<2000x16xi1>, vector<2000x16xf32>
    %exp3A = math.exp %select_n3A : vector<2000x16xf32>
    %get3A_9 = arith.constant 0 : index
    %get3A_10 = arith.constant 0 : index
    %get3A_11 = arith.constant 0 : index
    %get3A_12 = vector.load %arg4[%get3A_9, %get3A_10, %get3A_11] : memref<2x2000x16xf32, #tpu.memory_space<vmem>>, vector<1x2000x16xf32>
    %get3A_13 = vector.shape_cast %get3A_12 : vector<1x2000x16xf32> to vector<2000x16xf32>
    %get3A_14 = arith.constant 1 : index
    %get3A_15 = arith.constant 0 : index
    %get3A_16 = arith.constant 0 : index
    %get3A_17 = vector.load %arg4[%get3A_14, %get3A_15, %get3A_16] : memref<2x2000x16xf32, #tpu.memory_space<vmem>>, vector<1x2000x16xf32>
    %get3A_18 = vector.shape_cast %get3A_17 : vector<1x2000x16xf32> to vector<2000x16xf32>
    %add3A_19 = arith.addf %get3A_13, %get3A_18 : vector<2000x16xf32>
    %add3A_20 = arith.addf %add3A_19, %exp3A : vector<2000x16xf32>
    %add3A_21 = arith.constant 1.000000e-16 : f32
    %add3A_22 = vector.broadcast %add3A_21 : f32 to vector<2000x16xf32>
    %add3A_23 = arith.addf %add3A_20, %add3A_22 : vector<2000x16xf32>
    %div3A = arith.constant 1.000000e+00 : f32
    %div3A_24 = vector.broadcast %div3A : f32 to vector<2000x16xf32>
    %div3A_25 = arith.divf %div3A_24, %add3A_23 : vector<2000x16xf32>
    %swap3A = arith.constant 0 : index
    %swap3A_26 = arith.constant 0 : index
    %swap3A_27 = vector.load %arg7[%swap3A, %swap3A_26] : memref<2000x16xf32, #tpu.memory_space<vmem>>, vector<2000x16xf32>
    tpu.vector_store %arg7[%swap3A, %swap3A_26], %div3A_25 {strides = array<i32>} : memref<2000x16xf32, #tpu.memory_space<vmem>>, vector<2000x16xf32>,
    %mul3A_28 = arith.mulf %exp3A, %div3A_25 : vector<2000x16xf32>
    %get3A_29 = arith.constant 0 : index
    %get3A_30 = arith.constant 0 : index
    %get3A_31 = vector.load %arg5[%get3A_29, %get3A_30] : memref<16x128xf32, #tpu.memory_space<vmem>>, vector<16x128xf32>
    %dot_general3A = arith.constant dense<0.000000e+00> : vector<2000x128xf32>
    %dot_general3A_32 = tpu.matmul %mul3A_28, %get3A_31, %dot_general3A {dimension_numbers = #tpu.dot_dimension_numbers<[1], [0], [0], [1], [0, 0, 1, 1], [], []>, precision = #tpu.contract_precision<fp32>, transpose_lhs_hint = false} : vector<2000x16xf32>, vector<16x128xf32>, vector<2000x128xf32> -> vector<2000x128xf32>
    %mul3A_33 = arith.constant 5.000000e-01 : f32
    %mul3A_34 = vector.broadcast %mul3A_33 : f32 to vector<2000x128xf32>
    %mul3A_35 = arith.mulf %mul3A_34, %dot_general3A_32 : vector<2000x128xf32>
    %get3A_36 = arith.constant 0 : index
    %get3A_37 = arith.constant 0 : index
    %get3A_38 = vector.load %arg1[%get3A_36, %get3A_37] : memref<2000x128xf32, #tpu.memory_space<vmem>>, vector<2000x128xf32>
    %mul3A_39 = arith.mulf %get3A_38, %mul3A_35 : vector<2000x128xf32>
    %get3A_40 = arith.constant 0 : index
    %get3A_41 = arith.constant 0 : index
    %get3A_42 = vector.load %arg6[%get3A_40, %get3A_41] : memref<128x16xf32, #tpu.memory_space<vmem>>, vector<128x16xf32>
    %dot_general3A_43 = arith.constant dense<0.000000e+00> : vector<2000x16xf32>
    %dot_general3A_44 = tpu.matmul %mul3A_39, %get3A_42, %dot_general3A_43 {dimension_numbers = #tpu.dot_dimension_numbers<[1], [0], [0], [1], [0, 0, 1, 1], [], []>, precision = #tpu.contract_precision<fp32>, transpose_lhs_hint = false} : vector<2000x128xf32>, vector<128x16xf32>, vector<2000x16xf32> -> vector<2000x16xf32>
    %swap3A_45 = arith.constant 0 : index
    %swap3A_46 = arith.constant 0 : index
    %swap3A_47 = vector.load %arg8[%swap3A_45, %swap3A_46] : memref<2000x16xf32, #tpu.memory_space<vmem>>, vector<2000x16xf32>
    tpu.vector_store %arg8[%swap3A_45, %swap3A_46], %dot_general3A_44 {strides = array<i32>} : memref<2000x16xf32, #tpu.memory_space<vmem>>, vector<2000x16xf32>,
    return
  }
  func.func @transform_0(%arg0: i32) -> (i32, i32) {
    %c0_i32 = arith.constant 0 : i32
    %c0_i32_0 = arith.constant 0 : i32
    return %arg0, %c0_i32 : i32, i32
  }
  func.func @transform_1(%arg0: i32) -> (i32, i32) {
    %c0_i32 = arith.constant 0 : i32
    %c0_i32_0 = arith.constant 0 : i32
    return %arg0, %c0_i32 : i32, i32
  }
  func.func @transform_2(%arg0: i32) -> (i32, i32) {
    %c0_i32 = arith.constant 0 : i32
    %c0_i32_0 = arith.constant 0 : i32
    return %arg0, %c0_i32 : i32, i32
  }
  func.func @transform_3(%arg0: i32) -> (i32, i32, i32) {
    %c0_i32 = arith.constant 0 : i32
    %c0_i32_0 = arith.constant 0 : i32
    %c0_i32_1 = arith.constant 0 : i32
    return %c0_i32, %arg0, %c0_i32_0 : i32, i32, i32
  }
  func.func @transform_4(%arg0: i32) -> (i32, i32) {
    %c0_i32 = arith.constant 0 : i32
    %c0_i32_0 = arith.constant 0 : i32
    %c0_i32_1 = arith.constant 0 : i32
    return %c0_i32, %c0_i32_0 : i32, i32
  }
  func.func @transform_5(%arg0: i32) -> (i32, i32) {
    %c0_i32 = arith.constant 0 : i32
    %c0_i32_0 = arith.constant 0 : i32
    %c0_i32_1 = arith.constant 0 : i32
    return %c0_i32, %c0_i32_0 : i32, i32
  }
  func.func @transform_6(%arg0: i32) -> (i32, i32) {
    %c0_i32 = arith.constant 0 : i32
    %c0_i32_0 = arith.constant 0 : i32
    return %arg0, %c0_i32 : i32, i32
  }
  func.func @transform_7(%arg0: i32) -> (i32, i32) {
    %c0_i32 = arith.constant 0 : i32
    %c0_i32_0 = arith.constant 0 : i32
    return %arg0, %c0_i32 : i32, i32
  }
}

module attributes {stable_mosaic.version = 14 : i64} {
  func.func @_k5_body(%arg0: i32, %arg1: memref<2x2000x16xf32, #tpu.memory_space<vmem>>, %arg2: memref<2000x16xf32, #tpu.memory_space<vmem>>, %arg3: memref<8x16xf32, #tpu.memory_space<vmem>>, %arg4: memref<2000x16xf32, #tpu.memory_space<vmem>>) attributes {dimension_semantics = [#tpu.dimension_semantics<arbitrary>], iteration_bounds = array<i64: 50>, scalar_prefetch = 0 : i64, scratch_operands = 0 : i64, tpu.core_type = #tpu.core_type<tc>, window_params = [{transform_indices = @transform_0, window_bounds = array<i64: 2, 2000, 16>}, {transform_indices = @transform_1, window_bounds = array<i64: 2000, 16>}, {pipeline_mode = #tpu.pipeline_mode<synchronous>, transform_indices = @transform_2, window_bounds = array<i64: 8, 16>}, {transform_indices = @transform_3, window_bounds = array<i64: 2000, 16>}]} {
    %get3A = arith.constant 0 : index
    %get3A_0 = arith.constant 0 : index
    %get3A_1 = arith.constant 0 : index
    %get3A_2 = vector.load %arg1[%get3A, %get3A_0, %get3A_1] : memref<2x2000x16xf32, #tpu.memory_space<vmem>>, vector<1x2000x16xf32>
    %get3A_3 = vector.shape_cast %get3A_2 : vector<1x2000x16xf32> to vector<2000x16xf32>
    %get3A_4 = arith.constant 1 : index
    %get3A_5 = arith.constant 0 : index
    %get3A_6 = arith.constant 0 : index
    %get3A_7 = vector.load %arg1[%get3A_4, %get3A_5, %get3A_6] : memref<2x2000x16xf32, #tpu.memory_space<vmem>>, vector<1x2000x16xf32>
    %get3A_8 = vector.shape_cast %get3A_7 : vector<1x2000x16xf32> to vector<2000x16xf32>
    %add3A = arith.addf %get3A_3, %get3A_8 : vector<2000x16xf32>
    %get3A_9 = arith.constant 0 : index
    %get3A_10 = arith.constant 0 : index
    %get3A_11 = vector.load %arg2[%get3A_9, %get3A_10] : memref<2000x16xf32, #tpu.memory_space<vmem>>, vector<2000x16xf32>
    %add3A_12 = arith.addf %add3A, %get3A_11 : vector<2000x16xf32>
    %mul3A = arith.constant 1.250000e-01 : f32
    %mul3A_13 = vector.broadcast %mul3A : f32 to vector<2000x16xf32>
    %mul3A_14 = arith.mulf %add3A_12, %mul3A_13 : vector<2000x16xf32>
    %get3A_15 = arith.constant 0 : index
    %get3A_16 = arith.constant 0 : index
    %get3A_17 = vector.load %arg3[%get3A_15, %get3A_16] : memref<8x16xf32, #tpu.memory_space<vmem>>, vector<1x16xf32>
    %add3A_18 = vector.broadcast %get3A_17 : vector<1x16xf32> to vector<2000x16xf32>
    %add3A_19 = arith.addf %mul3A_14, %add3A_18 : vector<2000x16xf32>
    %ge3A = arith.constant 0.000000e+00 : f32
    %ge3A_20 = vector.broadcast %ge3A : f32 to vector<2000x16xf32>
    %ge3A_21 = arith.cmpf oge, %add3A_19, %ge3A_20 : vector<2000x16xf32>
    %mul3A_22 = arith.constant 0.00999999977 : f32
    %mul3A_23 = vector.broadcast %mul3A_22 : f32 to vector<2000x16xf32>
    %mul3A_24 = arith.mulf %mul3A_23, %add3A_19 : vector<2000x16xf32>
    %select_n3A = arith.select %ge3A_21, %add3A_19, %mul3A_24 : vector<2000x16xi1>, vector<2000x16xf32>
    %swap3A = arith.constant 0 : index
    %swap3A_25 = arith.constant 0 : index
    %swap3A_26 = vector.load %arg4[%swap3A, %swap3A_25] : memref<2000x16xf32, #tpu.memory_space<vmem>>, vector<2000x16xf32>
    tpu.vector_store %arg4[%swap3A, %swap3A_25], %select_n3A {strides = array<i32>} : memref<2000x16xf32, #tpu.memory_space<vmem>>, vector<2000x16xf32>,
    return
  }
  func.func @transform_0(%arg0: i32) -> (i32, i32, i32) {
    %c0_i32 = arith.constant 0 : i32
    %c0_i32_0 = arith.constant 0 : i32
    %c0_i32_1 = arith.constant 0 : i32
    return %c0_i32, %arg0, %c0_i32_0 : i32, i32, i32
  }
  func.func @transform_1(%arg0: i32) -> (i32, i32) {
    %c0_i32 = arith.constant 0 : i32
    %c0_i32_0 = arith.constant 0 : i32
    return %arg0, %c0_i32 : i32, i32
  }
  func.func @transform_2(%arg0: i32) -> (i32, i32) {
    %c0_i32 = arith.constant 0 : i32
    %c0_i32_0 = arith.constant 0 : i32
    %c0_i32_1 = arith.constant 0 : i32
    return %c0_i32, %c0_i32_0 : i32, i32
  }
  func.func @transform_3(%arg0: i32) -> (i32, i32) {
    %c0_i32 = arith.constant 0 : i32
    %c0_i32_0 = arith.constant 0 : i32
    return %arg0, %c0_i32 : i32, i32
  }
}

</mosaic_0001>

<sc_bundles>
// kernel: kernel.10.cloned.1.call-start
scs
__scs_entry_jumppad:
0x0: {  	(pc) =	sbr.rel $0x88, $3  }
0x1: {  	(tag) =	ssettag $0x0;
	lr =	simm.s32 $0x1  }
0x2: {  	[smem:$0x3F9B] =	sst lr;
	_ =	strace $0xD0000000  }
0x3: {  	_ = 	snop  }
0x4: {  	_ = 	snop  }
0x5: {  	_ = 	snop  }
0x6: {  	_ = 	snop  }
0x7: {  	_ = 	snop  }
__scs_overlays_trampoline_lowered:
0x8: {  	[smem:$0x3FAA] =	sst s0  }
0x9: {  	[smem:$0x3FAB] =	sst s1  }
0xa: {  	[smem:$0x3FAC] =	sst s2  }
0xb: {  	[smem:$0x3FAD] =	sst s3  }
0xc: {  	[smem:$0x3FAE] =	sst s4  }
0xd: {  	[smem:$0x3FAF] =	sst s5  }
0xe: {  	[smem:$0x3FB0] =	sst s6  }
0xf: {  	[smem:$0x3FB1] =	sst s7  }
0x10: {  	[smem:$0x3FB2] =	sst s8  }
0x11: {  	[smem:$0x3FB3] =	sst s9;
	s0 =	simm.s32 @!p0 $0x0  }
0x12: {  	s1 =	sld [smem:$0x3F99];
	s0 =	simm.s32 @p0 $0x1  }
0x13: {  	[smem:$0x3FB4] =	sst s0;
	s0 =	simm.s32 @!p1 $0x0  }
0x14: {  	s2 =	sld [smem:$0x3F98];
	s0 =	simm.s32 @p1 $0x1  }
0x15: {  	[smem:$0x3FB5] =	sst s0;
	s0 =	simm.s32 @!p2 $0x0  }
0x16: {  	s3 =	sld [smem:$0x3FDB];
	s0 =	simm.s32 @p2 $0x1  }
0x17: {  	s4 =	simm.s32 $0x1BF5;
	[smem:$0x3FB7] =	sst s0  }
0x18: {  	s0 =	sld [smem:$0x3F9A];
	_ =	swait.ge [sflag:s4], $0x0  }
0x19: {  	s7 =	sld [smem:$0x3F9B]  }
0x1a: {  	s8 =	sadd.s32 $0xFFFFE003, lr  }
0x1b: {  	s9 =	sadd.s32 $0xFFFFFEF7, lr;
	s5 =	simm.s32 $0xFFFFFFFF;
	p2 =	slt.u32 s8, $0xFFFFF086  }
0x1c: {  	p1 =	slt.u32 s9, $0xF7A;
	s5 =	simm.s32 @!p2 $0x0  }
0x1d: {  	s5 =	simm.s32 @p1 $0x1;
	p0 =	seq.s32 s7, s2  }
0x1e: {  	s7 =	smul.u32 @!p0 $0xF7A, s2;
	p2 =	seq.s32 @!p0 s5, $0x0  }
0x1f: {  	s9 =	smul.u32 $0xF7A, s1;
	s8 =	simm.s32 @!p0 $0x1BF5;
	p2 =	por !p2, p0  }
0x20: {  	[sflag:s8] =	ssyncset.s32 @!p0 $0xFFFFF086;
	s6 =	sadd.s32 @!p0 s3, s7;
	s7 =	simm.s32 @!p0 $0x108  }
0x21: {  	s3 =	sadd.s32 s3, s9;
	s6 =	sadd.s32 @!p0 $0x88, s6;
	s7 =	simm.s32 @p2 $0x1082  }
0x22: {  	[simem:s7], [sflag:s8] =	dma.local @!p0 [hbm:s6], $0xF7A  }
0x23: {  	s9 =	sor.u32 $0xD0000000, s2;
	s6 =	simm.s32 $0x108;
	_ =	swait.ge @!p0 [sflag:s8], $0x0  }
0x24: {  	s3 =	sadd.s32 $0x88, s3;
	s6 =	simm.s32 @!p1 $0x1082;
	[sflag:s4] =	ssyncset.s32 $0xFFFFF086  }
0x25: {  	[simem:s6], [sflag:s4] =	dma.local [hbm:s3], $0xF7A  }
0x26: {  	[smem:$0x3F9B] =	sst s1;
	(tag) =	ssettag s2;
	_ =	strace s9  }
0x27: {  	s1 =	sld [smem:$0x3FAB]  }
0x28: {  	s2 =	sld [smem:$0x3FAC]  }
0x29: {  	s4 =	sld [smem:$0x3FAE]  }
0x2a: {  	p0 =	seq.s32 s5, $0x0;
	s5 =	sld [smem:$0x3FAF]  }
0x2b: {  	s6 =	sld [smem:$0x3FB0]  }
0x2c: {  	s7 =	sld [smem:$0x3FB1]  }
0x2d: {  	s3 =	simm.s32 $0x108;
	s8 =	sld [smem:$0x3FB2]  }
0x2e: {  	s3 =	simm.s32 @!p0 $0x1082;
	s9 =	sld [smem:$0x3FB3]  }
0x2f: {  	lr =	sadd.s32 s0, s3;
	s0 =	sld [smem:$0x3FAA]  }
0x30: {  	s3 =	sld [smem:$0x3FAD]  }
0x31: {  	[smem:$0x3FB6] =	sst s10  }
0x32: {  	s10 =	sld [smem:$0x3FB4];
	_ =	sdelay $0x3  }
0x33: {  	p0 =	seq.s32 s10, $0x1;
	s10 =	sld [smem:$0x3FB6];
	_ =	sdelay $0x3  }
0x34: {  	[smem:$0x3FB6] =	sst s10  }
0x35: {  	s10 =	sld [smem:$0x3FB5];
	_ =	sdelay $0x3  }
0x36: {  	p1 =	seq.s32 s10, $0x1;
	s10 =	sld [smem:$0x3FB6];
	_ =	sdelay $0x3  }
0x37: {  	[smem:$0x3FB6] =	sst s10  }
0x38: {  	s10 =	sld [smem:$0x3FB7]  }
0x39: {  	_ = 	snop;
	(pc) =	sbr.ind lr, $3  }
0x3a: {  	_ = 	snop  }
0x3b: {  	_ = 	snop  }
0x3c: {  	p2 =	seq.s32 s10, $0x1;
	s10 =	sld [smem:$0x3FB6]  }
0x3d: {  	_ =	shalt  }
0x3e: {  	_ =	shalt  }
0x3f: {  	_ =	shalt  }
0x40: {  	_ =	shalt  }
0x41: {  	_ =	shalt  }
0x42: {  	_ =	shalt  }
0x43: {  	_ =	shalt  }
0x44: {  	_ =	shalt  }
0x45: {  	_ =	shalt  }
0x46: {  	_ =	shalt  }
0x47: {  	_ =	shalt  }
0x48: {  	_ =	shalt  }
0x49: {  	_ =	shalt  }
0x4a: {  	_ =	shalt  }
0x4b: {  	_ =	shalt  }
0x4c: {  	_ =	shalt  }
0x4d: {  	_ =	shalt  }
0x4e: {  	_ =	shalt  }
0x4f: {  	_ =	shalt  }
0x50: {  	_ =	shalt  }
0x51: {  	_ =	shalt  }
0x52: {  	_ =	shalt  }
0x53: {  	_ =	shalt  }
0x54: {  	_ =	shalt  }
0x55: {  	_ =	shalt  }
0x56: {  	_ =	shalt  }
0x57: {  	_ =	shalt  }
0x58: {  	_ =	shalt  }
0x59: {  	_ =	shalt  }
0x5a: {  	_ =	shalt  }
0x5b: {  	_ =	shalt  }
0x5c: {  	_ =	shalt  }
0x5d: {  	_ =	shalt  }
0x5e: {  	_ =	shalt  }
0x5f: {  	_ =	shalt  }
0x60: {  	_ =	shalt  }
0x61: {  	_ =	shalt  }
0x62: {  	_ =	shalt  }
0x63: {  	_ =	shalt  }
0x64: {  	_ =	shalt  }
0x65: {  	_ =	shalt  }
0x66: {  	_ =	shalt  }
0x67: {  	_ =	shalt  }
0x68: {  	_ =	shalt  }
0x69: {  	_ =	shalt  }
0x6a: {  	_ =	shalt  }
0x6b: {  	_ =	shalt  }
0x6c: {  	_ =	shalt  }
0x6d: {  	_ =	shalt  }
0x6e: {  	_ =	shalt  }
0x6f: {  	_ =	shalt  }
0x70: {  	_ =	shalt  }
0x71: {  	_ =	shalt  }
0x72: {  	_ =	shalt  }
0x73: {  	_ =	shalt  }
0x74: {  	_ =	shalt  }
0x75: {  	_ =	shalt  }
0x76: {  	_ =	shalt  }
0x77: {  	_ =	shalt  }
0x78: {  	_ =	shalt  }
0x79: {  	_ =	shalt  }
0x7a: {  	_ =	shalt  }
0x7b: {  	_ =	shalt  }
0x7c: {  	_ =	shalt  }
0x7d: {  	_ =	shalt  }
0x7e: {  	_ =	shalt  }
0x7f: {  	_ =	shalt  }
0x80: {  	_ =	shalt  }
0x81: {  	_ =	shalt  }
0x82: {  	_ =	shalt  }
0x83: {  	_ =	shalt  }
0x84: {  	_ =	shalt  }
0x85: {  	_ =	shalt  }
0x86: {  	_ =	shalt  }
0x87: {  	_ =	shalt  }
.Lfunc_end0:
.L_simem_size_0:
called_computation.1_lowered:
.L_overlay_start_0:
0x88: {  	s2 =	sld [smem:$0x3FD9]  }
0x89: {  	s3 =	sld [smem:$0x3FFE];
	_ =	sdelay $0x1  }
0x8a: {  	s1 =	srdreg.scid  }
0x8b: {  	s0 =	sand.u32 $0x1, s1  }
0x8c: {  	s17 =	sshll.u32 s0, $0xA;
	s2 =	sadd.s32 s3, s2  }
0x8d: {  	s2 =	sadd.s32 s2, s17  }
0x8e: {  	[smem:$0x3FC2] =	sst s2  }
0x8f: {  	_ = 	snop  }
0x90: {  	s2 =	sld [smem:$0x3FD0];
	(tm) =	ssettm $0x1  }
0x91: {  	s18 =	sld [smem:$0x3FFB];
	_ =	sdelay $0x3  }
0x92: {  	_ =	strace s18  }
0x93: {  	s3 =	sld [smem:$0x3FFC];
	_ =	sdelay $0x3  }
0x94: {  	_ =	strace s3  }
0x95: {  	s3 =	sld [smem:$0x3FFD];
	_ =	sdelay $0x3  }
0x96: {  	_ =	strace s3  }
0x97: {  	_ =	strace $0x8FFFFFFF  }
0x98: {  	s19 =	sld [smem:$0x3FDB];
	_ =	sdelay $0x1  }
0x99: {  	s4 =	simm.s32 $_scs_section_size  }
0x9a: {  	s5 =	simm.s32 $_size__tile_overlayer_lowered;
	s6 =	simm.s32 $_tile_overlayer_lowered  }
0x9b: {  	s22 =	simm.s32 $0x1BFF;
	s21 =	sshll.u32 s6, $0x1;
	s3 =	sadd.s32 s4, s19  }
0x9c: {  	s7 =	simm.s32 $0x0;
	s20 =	sshll.u32 s5, $0x1;
	s5 =	sadd.s32 s21, s3  }
0x9d: {  	[timem:s7], [sflag:s22] =	dma.local [hbm:s5], s20  }
0x9e: {  	_ =	swait.ge [sflag:s22], s20  }
0x9f: {  	s4 =	ssub.s32 $0x0, s20;
	[sflag:s22] =	ssyncset.done $0x0  }
0xa0: {  	[sflag:s22] =	ssyncadd.s32 s4;
	_ =	sdelay $0x1  }
0xa1: {  	s23 =	simm.s32 $0x1B8B  }
0xa2: {  	_ =	swait.ge [sflag:s23], $0x1  }
0xa3: {  	[sflag:s23] =	ssyncset.done $0x0  }
0xa4: {  	s25 =	simm.s32 $0x1B8E;
	s24 =	sld [smem:$0x3FFE];
	[sflag:s23] =	ssyncadd.s32 $0xFFFFFFFF  }
0xa5: {  	s26 =	simm.s32 $execute0_lowered;
	[smem:$0x3FD2] =	sst s25  }
0xa6: {  	s5 =	sshll.u32 s26, $0x1;
	_ =	strace $0x80000049;
	[dreg:$0x1] =	wrdreg $0xFFFFFFFF  }
0xa7: {  	s28 =	simm.s32 $_size_execute0_lowered;
	s3 =	sadd.s32 s3, s5;
	[dreg:$0x0] =	wrdreg $0x0  }
0xa8: {  	s5 =	sshll.u32 s28, $0x1;
	[dreg:$0x2] =	wrdreg s3  }
0xa9: {  	[dreg:$0x3] =	wrdreg s5  }
0xaa: {  	[dreg:$0x4] =	wrdreg $0xC0  }
0xab: {  	_ =	task [dreg:s7], $0x5FFFF  }
0xac: {  	[dreg:$0x1] =	wrdreg $0xFFFFFFFF  }
0xad: {  	[dreg:$0x0] =	wrdreg $0x60  }
0xae: {  	[dreg:$0x2] =	wrdreg s2  }
0xaf: {  	[dreg:$0x3] =	wrdreg s24  }
0xb0: {  	[dreg:$0x4] =	wrdreg $0x5F200  }
0xb1: {  	[dreg:$0x5] =	wrdreg $0x9  }
0xb2: {  	_ =	task.clear_ibuf [dreg:s7], $0x6FFFF;
	_ =	strace $0x90000049  }
0xb3: {  	s29 =	simm.s32 $0x9;
	_ =	strace $0x8000004B  }
0xb4: {  	_ =	swait.ge [sflag:s29], $0x1  }
0xb5: {  	[sflag:s29] =	ssyncadd.s32 $0xFFFFFFFF  }
0xb6: {  	_ =	strace $0x9000004B  }
0xb7: {  	_ =	sfence  }
0xb8: {  	s30 =	sld [smem:$0x0];
	_ =	sdelay $0x2  }
0xb9: {  	s31 =	sshll.u32 s1, $0xD;
	s1 =	sshrl.u32 s1, $0x2  }
0xba: {  	s3 =	sand.u32 $0x4000, s31;
	s1 =	sadd.s32 s1, s30  }
0xbb: {  	s0 =	sor.u32 s3, s0;
	s1 =	sshll.u32 s1, $0x11  }
0xbc: {  	s0 =	sor.u32 s1, s0  }
0xbd: {  	s0 =	sadd.s32 $0x8F2B, s0  }
0xbe: {  	[sflag:s0] =	ssyncadd.remote.s32 $0x1  }
0xbf: {  	_ =	sfence.sel $0xFFFF  }
0xc0: {  	[dreg:$0x0] =	wrdreg $0xFFFFFFFF;
	(pc) =	sbr.abs _section_cstart, $3  }
0xc1: {  	[dreg:$0x1] =	wrdreg $0xFFFFFFFF  }
0xc2: {  	_ =	task.clear_ibuf [dreg:s7], $0x2FFFF;
	_ =	strace $0x9FFFFFFF  }
0xc3: {  	(tm) =	ssettm $0x7FFFFFFF  }
tec
execute0_lowered:
.L_overlay_start_1:
0x0: {  	(tag) =	ssettag $0x1  }
0x1: {  	s1 =	rddreg [dreg:$0x0]  }
0x2: {  	s9 =	rddreg [dreg:$0x1]  }
0x3: {  	s2 =	rddreg [dreg:$0x2]  }
0x4: {  	s3 =	srdreg.scid;
	s0 =	rddreg [dreg:$0x3];
	s4 =	simm.s32 $0x0  }
0x5: {  	s16 =	simm.s32 $0x900;
	s17 =	simm.s32 $0x1100;
	s18 =	simm.s32 $0x100  }
0x6: {  	s19 =	simm.s32 $0x1;
	s20 =	simm.s32 $0x2;
	s21 =	simm.s32 $0x3  }
0x7: {  	s22 =	simm.s32 $0x5100;
	s10 =	sand.u32 $0x1, s3;
	s3 =	stileid.u32  }
0x8: {  	[smem:$0x7FF] =	sst s4;
	s6 =	sadd.s32 $0x61C800, s9;
	s7 =	smul.u32 $0x188000, s10  }
0x9: {  	s5 =	sadd.s32 $0x64000, s9;
	s11 =	smul.u32 $0x18800, s3;
	_ =	strace $0x8000004A  }
0xa: {  	s13 =	ssub.s32 $0x2, s10;
	s10 =	sshll.u32 s10, $0xB;
	s14 =	sshll.u32 s3, $0x7  }
0xb: {  	s15 =	smul.u32 $0x62000, s3;
	s30 =	sshrl.u32 s13, $0x1;
	s8 =	sadd.s32 s11, s7  }
0xc: {  	s7 =	sadd.s32 $0x2000, s9;
	s13 =	ssub.s32 s13, s30;
	s23 =	sadd.s32 s11, s2  }
0xd: {  	s31 =	sshrl.u32 s15, $0x2;
	s15 =	simm.s32 $0x80;
	s12 =	sshrl.u32 s8, $0x3  }
0xe: {  	s8 =	sadd.s32 $0x495E00, s9;
	s11 =	smax.u32 s13, $0x1;
	s13 =	simm.s32 $0x5900  }
0xf: {  	s23 =	sshrl.u32 s23, $0x3;
	s12 =	sadd.s32 s12, s9;
	s9 =	sor.u32 s14, s10  }
0x10: {  	v0 =	vimm.f32 $0.0e+00;
	s14 =	simm.s32 $0x4;
	s10 =	sadd.s32 $0x92A800, s12;
	s12 =	sadd.s32 s31, s2  }
.LBB2_1:
0x11: {  	s24 =	simm.s32 $0x0  }
.LBB2_2:
0x12: {  	p0 =	sne.s32 s24, $0x1840  }
.Ltmp0:
0x13: {  	_ = 	snop;
	(pc) =	sbr.rel @p0 .LBB2_2-.Ltmp0, $3  }
0x14: {  	_ =	sdelay $0x1  }
0x15: {  	s25 =	sshra.s32 s24, $0x2  }
0x16: {  	s24 =	sadd.s32 $0x40, s24;
	[tilespmem:s25+$0x5900] =	vst v0  }
0x17: {  	s24 =	sadd.s32 $0x0, s12  }
0x18: {  	[spmem:s24] =	stream.linear.scatter [tilespmem:s13], [sflag:$0x4], $0x620, $0x38;
	[tilespmem:$0x1E720] =	vst v63  }
0x19: {  	s24 =	simm.s32 $0x1880;
	_ =	swait.ge [sflag:s14], $0x620  }
.LBB2_4:
0x1a: {  	s25 =	sshra.s32 s24, $0x2;
	[sflag:s14] =	ssyncset.done $0x0;
	p0 =	sne.s32 s24, $0x60780  }
.Ltmp1:
0x1b: {  	s25 =	sadd.s32 s25, s12;
	[sflag:s14] =	ssyncadd.s32 $0xFFFFF9E0;
	(pc) =	sbr.rel @p0 .LBB2_4-.Ltmp1, $3  }
0x1c: {  	[spmem:s25] =	stream.linear.scatter [tilespmem:s13], [sflag:$0x4], $0x620, $0x38;
	[tilespmem:$0x1E720] =	vst v63  }
0x1d: {  	s24 =	sadd.s32 $0x1880, s24;
	_ =	sdelay $0x1  }
0x1e: {  	_ =	swait.ge [sflag:s14], $0x620  }
0x1f: {  	[sflag:s14] =	ssyncset.done $0x0  }
0x20: {  	[sflag:s14] =	ssyncadd.s32 $0xFFFFF9E0  }
0x21: {  	s24 =	simm.s32 $0x0;
	s25 =	simm.s32 $0x0;
	[bflag:$0x0] =	sbarrier.arrive $0xFFFF  }
.LBB2_6:
0x22: {  	s26 =	sshll.u32 s25, $0xC  }
0x23: {  	s26 =	sor.u32 s9, s26  }
0x24: {  	s28 =	sshrl.u32 s26, $0x3  }
0x25: {  	s29 =	sadd.s32 s1, s28  }
0x26: {  	[tilespmem:s24], [sflag:$0x4] =	stream.linear.gather [hbm4b:s29+s24], $0x80, $0x38;
	[tilespmem:$0x1E720] =	vst v63  }
0x27: {  	_ =	swait.ge [sflag:s14], $0x80  }
0x28: {  	[sflag:s14] =	ssyncset.done $0x0  }
0x29: {  	s28 =	sadd.s32 s5, s28;
	[sflag:s14] =	ssyncadd.s32 $0xFFFFFF80  }
0x2a: {  	[tilespmem:s15], [sflag:$0x4] =	stream.linear.gather [hbm4b:s28+s24], $0x80, $0x38;
	[tilespmem:$0x1E720] =	vst v63  }
0x2b: {  	_ =	swait.ge [sflag:s14], $0x80  }
0x2c: {  	[sflag:s14] =	ssyncset.done $0x0  }
0x2d: {  	[sflag:s14] =	ssyncadd.s32 $0xFFFFFF80  }
0x2e: {  	[tilespmem:s16], [sflag:$0x1] =	stream.indirect.gather [hbm4b:s7+s15], $0x10, s15, s15, $0xb8;
	[tilespmem:$0x1E720] =	vst v63  }
0x2f: {  	s26 =	sshll.u32 s26, $0x1  }
0x30: {  	[tilespmem:s17], [sflag:$0x2] =	stream.indirect.gather [hbm4b:s8+s15], $0x80, s24, s15, $0xb8;
	[tilespmem:$0x1E720] =	vst v63  }
0x31: {  	s26 =	sadd.s32 s6, s26  }
0x32: {  	[tilespmem:s18], [sflag:$0x3] =	stream.linear.gather [hbm4b:s26+s24], $0x800, $0x38;
	[tilespmem:$0x1E720] =	vst v63  }
0x33: {  	_ =	swait.ge [sflag:s19], $0x800  }
0x34: {  	[sflag:s19] =	ssyncset.done $0x0  }
0x35: {  	s31 =	simm.s32 $0x0;
	[sflag:s19] =	ssyncadd.s32 $0xFFFFF800  }
0x36: {  	v1 =	vmov s31;
	_ =	swait.ge [sflag:s20], $0x4000  }
0x37: {  	v2 =	vor.u32 $0x7, v1;
	[sflag:s20] =	ssyncset.done $0x0  }
0x38: {  	v3 =	vor.u32 $0x6, v1;
	[sflag:s20] =	ssyncadd.s32 $0xFFFFC000  }
0x39: {  	v4 =	vor.u32 $0x5, v1;
	_ =	swait.ge [sflag:s21], $0x800  }
0x3a: {  	v5 =	vor.u32 $0x4, v1;
	[sflag:s21] =	ssyncset.done $0x0  }
0x3b: {  	v6 =	vor.u32 $0x3, v1;
	[sflag:s21] =	ssyncadd.s32 $0xFFFFF800  }
0x3c: {  	v7 =	vor.u32 $0x2, v1;
	v8 =	vld.idx.msk [tilespmem:v2+s18+$0x0], $0xffff  }
0x3d: {  	v9 =	vld.idx.msk [tilespmem:v3+s18+$0x0], $0xffff  }
0x3e: {  	v10 =	vld.idx.msk [tilespmem:v4+s18+$0x0], $0xffff  }
0x3f: {  	v11 =	vor.u32 $0x1, v1;
	v12 =	vld.idx.msk [tilespmem:v5+s18+$0x0], $0xffff  }
0x40: {  	v13 =	vld.idx.msk [tilespmem:v6+s18+$0x0], $0xffff  }
0x41: {  	v14 =	vld.idx.msk [tilespmem:v7+s18+$0x0], $0xffff  }
0x42: {  	v15 =	vld.idx.msk [tilespmem:v1+s16+$0x0], $0xffff  }
0x43: {  	v1 =	vld.idx.msk [tilespmem:v1+s18+$0x0], $0xffff  }
0x44: {  	v16 =	vld.idx.msk [tilespmem:v11+s18+$0x0], $0xffff  }
0x45: {  	s26 =	simm.s32 $0x1140;
	v11 =	vld.idx.msk [tilespmem:v11+s16+$0x0], $0xffff  }
0x46: {  	v17 =	vld [tilespmem:s26+$0xFFFFFFC0]  }
0x47: {  	v7 =	vld.idx.msk [tilespmem:v7+s16+$0x0], $0xffff  }
0x48: {  	v18 =	vld [tilespmem:s26+$0xFFFFFFD0]  }
0x49: {  	v6 =	vld.idx.msk [tilespmem:v6+s16+$0x0], $0xffff;
	v1 =	vmul.f32 v15, v1  }
0x4a: {  	v61 =	vld [tilespmem:s26+$0xFFFFFFE0]  }
0x4b: {  	v5 =	vld.idx.msk [tilespmem:v5+s16+$0x0], $0xffff;
	v11 =	vmul.f32 v11, v16;
	v1 =	vmul.f32 v17, v1  }
0x4c: {  	v62 =	vld [tilespmem:s26+$0xFFFFFFF0]  }
0x4d: {  	v4 =	vld.idx.msk [tilespmem:v4+s16+$0x0], $0xffff;
	v7 =	vmul.f32 v7, v14;
	v11 =	vmul.f32 v18, v11;
	v1 =	vadd.f32 $0.0e+00, v1  }
0x4e: {  	v63 =	vld [tilespmem:s26+$0x0]  }
0x4f: {  	v3 =	vld.idx.msk [tilespmem:v3+s16+$0x0], $0xffff;
	v6 =	vmul.f32 v6, v13;
	v7 =	vmul.f32 v61, v7;
	v1 =	vadd.f32 v11, v1  }
0x50: {  	v11 =	vld [tilespmem:s26+$0x10]  }
0x51: {  	v2 =	vld.idx.msk [tilespmem:v2+s16+$0x0], $0xffff;
	v5 =	vmul.f32 v5, v12;
	v6 =	vmul.f32 v62, v6;
	v1 =	vadd.f32 v7, v1  }
0x52: {  	v7 =	vld [tilespmem:s26+$0x20]  }
0x53: {  	v4 =	vmul.f32 v4, v10;
	v5 =	vmul.f32 v63, v5;
	v1 =	vadd.f32 v6, v1  }
0x54: {  	v6 =	vld [tilespmem:s26+$0x30]  }
0x55: {  	v3 =	vmul.f32 v3, v9;
	v4 =	vmul.f32 v11, v4;
	v1 =	vadd.f32 v5, v1;
	_ =	sdelay $0x1  }
0x56: {  	s28 =	simm.s32 $0x10;
	v3 =	vmul.f32 v7, v3;
	v1 =	vadd.f32 v4, v1;
	v4 =	vmul.f32 v2, v8  }
0x57: {  	v7 =	vmov s28  }
0x58: {  	v2 =	vor.u32 $0x7, v7;
	v1 =	vadd.f32 v3, v1;
	v3 =	vmul.f32 v6, v4  }
0x59: {  	v4 =	vor.u32 $0x6, v7  }
0x5a: {  	v5 =	vor.u32 $0x5, v7;
	v1 =	vadd.f32 v3, v1  }
0x5b: {  	s28 =	simm.s32 $0x5100;
	v6 =	vor.u32 $0x4, v7  }
0x5c: {  	v8 =	vor.u32 $0x3, v7;
	[tilespmem:s28+$0x0] =	vst v1  }
0x5d: {  	v9 =	vor.u32 $0x2, v7;
	v1 =	vld.idx.msk [tilespmem:v2+s18+$0x0], $0xffff  }
0x5e: {  	s29 =	simm.s32 $0x2;
	v3 =	vld.idx.msk [tilespmem:v4+s18+$0x0], $0xffff  }
.LBB2_7:
0x5f: {  	p0 =	sne.s32 s29, $0x7F;
	v10 =	vld.idx.msk [tilespmem:v5+s18+$0x0], $0xffff  }
0x60: {  	v11 =	vor.u32 $0x1, v7;
	v12 =	vld.idx.msk [tilespmem:v6+s18+$0x0], $0xffff  }
0x61: {  	v13 =	vld.idx.msk [tilespmem:v8+s18+$0x0], $0xffff  }
0x62: {  	v14 =	vld.idx.msk [tilespmem:v9+s18+$0x0], $0xffff  }
0x63: {  	v15 =	vld.idx.msk [tilespmem:v7+s16+$0x0], $0xffff  }
0x64: {  	v7 =	vld.idx.msk [tilespmem:v7+s18+$0x0], $0xffff  }
0x65: {  	v16 =	vld.idx.msk [tilespmem:v11+s18+$0x0], $0xffff  }
0x66: {  	s26 =	sadd.s32 $0x80, s26;
	v11 =	vld.idx.msk [tilespmem:v11+s16+$0x0], $0xffff  }
0x67: {  	v17 =	vld [tilespmem:s26+$0xFFFFFFC0]  }
0x68: {  	v9 =	vld.idx.msk [tilespmem:v9+s16+$0x0], $0xffff  }
0x69: {  	v18 =	vld [tilespmem:s26+$0xFFFFFFD0]  }
0x6a: {  	v7 =	vmul.f32 v15, v7;
	v8 =	vld.idx.msk [tilespmem:v8+s16+$0x0], $0xffff  }
0x6b: {  	v15 =	vld [tilespmem:s26+$0xFFFFFFE0]  }
0x6c: {  	v11 =	vmul.f32 v11, v16;
	v7 =	vmul.f32 v17, v7;
	v6 =	vld.idx.msk [tilespmem:v6+s16+$0x0], $0xffff  }
0x6d: {  	v16 =	vld [tilespmem:s26+$0xFFFFFFF0]  }
0x6e: {  	v9 =	vmul.f32 v9, v14;
	v7 =	vadd.f32 $0.0e+00, v7;
	v11 =	vmul.f32 v18, v11;
	v5 =	vld.idx.msk [tilespmem:v5+s16+$0x0], $0xffff  }
0x6f: {  	v14 =	vld [tilespmem:s26+$0x0]  }
0x70: {  	v8 =	vmul.f32 v8, v13;
	v7 =	vadd.f32 v11, v7;
	v9 =	vmul.f32 v15, v9;
	v4 =	vld.idx.msk [tilespmem:v4+s16+$0x0], $0xffff  }
0x71: {  	v11 =	vld [tilespmem:s26+$0x10]  }
0x72: {  	v6 =	vmul.f32 v6, v12;
	v7 =	vadd.f32 v9, v7;
	v8 =	vmul.f32 v16, v8;
	v2 =	vld.idx.msk [tilespmem:v2+s16+$0x0], $0xffff  }
0x73: {  	v9 =	vld [tilespmem:s26+$0x20]  }
0x74: {  	v5 =	vmul.f32 v5, v10;
	v7 =	vadd.f32 v8, v7;
	v6 =	vmul.f32 v14, v6  }
0x75: {  	v8 =	vld [tilespmem:s26+$0x30]  }
0x76: {  	v3 =	vmul.f32 v4, v3;
	v6 =	vadd.f32 v6, v7;
	v5 =	vmul.f32 v11, v5;
	_ =	sdelay $0x1  }
0x77: {  	s30 =	sshll.u32 s29, $0x4;
	v1 =	vmul.f32 v2, v1;
	v4 =	vadd.f32 v5, v6;
	v3 =	vmul.f32 v9, v3  }
0x78: {  	v7 =	vmov s30  }
0x79: {  	v2 =	vor.u32 $0x7, v7;
	v3 =	vadd.f32 v3, v4;
	v1 =	vmul.f32 v8, v1  }
0x7a: {  	v4 =	vor.u32 $0x6, v7  }
.Ltmp2:
0x7b: {  	v5 =	vor.u32 $0x5, v7;
	v1 =	vadd.f32 v1, v3;
	(pc) =	sbr.rel @p0 .LBB2_7-.Ltmp2, $4  }
0x7c: {  	s28 =	sadd.s32 $0x10, s28;
	v6 =	vor.u32 $0x4, v7  }
0x7d: {  	v8 =	vor.u32 $0x3, v7;
	[tilespmem:s28+$0x0] =	vst v1  }
0x7e: {  	v9 =	vor.u32 $0x2, v7;
	v1 =	vld.idx.msk [tilespmem:v2+s18+$0x0], $0xffff  }
0x7f: {  	s29 =	sadd.s32 $0x1, s29;
	v3 =	vld.idx.msk [tilespmem:v4+s18+$0x0], $0xffff  }
0x80: {  	_ =	sdelay $0x3  }
0x81: {  	v10 =	vld.idx.msk [tilespmem:v5+s18+$0x0], $0xffff  }
0x82: {  	v12 =	vld.idx.msk [tilespmem:v6+s18+$0x0], $0xffff  }
0x83: {  	v11 =	vor.u32 $0x1, v7;
	v13 =	vld.idx.msk [tilespmem:v8+s18+$0x0], $0xffff  }
0x84: {  	v14 =	vld.idx.msk [tilespmem:v9+s18+$0x0], $0xffff  }
0x85: {  	v15 =	vld.idx.msk [tilespmem:v7+s16+$0x0], $0xffff  }
0x86: {  	v52 =	vld.idx.msk [tilespmem:v7+s18+$0x0], $0xffff;
	s26 =	sadd.s32 $0x80, s26  }
0x87: {  	v17 =	vld [tilespmem:s26+$0xFFFFFFC0]  }
0x88: {  	v16 =	vld.idx.msk [tilespmem:v11+s18+$0x0], $0xffff  }
0x89: {  	v11 =	vld.idx.msk [tilespmem:v11+s16+$0x0], $0xffff  }
0x8a: {  	v53 =	vld.idx.msk [tilespmem:v9+s16+$0x0], $0xffff  }
0x8b: {  	v18 =	vld [tilespmem:s26+$0xFFFFFFD0]  }
0x8c: {  	v54 =	vld.idx.msk [tilespmem:v8+s16+$0x0], $0xffff;
	v7 =	vmul.f32 v15, v52  }
0x8d: {  	v55 =	vld [tilespmem:s26+$0xFFFFFFE0]  }
0x8e: {  	v56 =	vld.idx.msk [tilespmem:v6+s16+$0x0], $0xffff;
	v7 =	vmul.f32 v17, v7;
	v11 =	vmul.f32 v11, v16  }
0x8f: {  	v57 =	vld [tilespmem:s26+$0xFFFFFFF0]  }
0x90: {  	v58 =	vld.idx.msk [tilespmem:v5+s16+$0x0], $0xffff;
	v9 =	vmul.f32 v53, v14;
	v7 =	vadd.f32 $0.0e+00, v7;
	v11 =	vmul.f32 v18, v11  }
0x91: {  	v59 =	vld [tilespmem:s26+$0x0]  }
0x92: {  	v4 =	vld.idx.msk [tilespmem:v4+s16+$0x0], $0xffff;
	v8 =	vmul.f32 v54, v13;
	v9 =	vmul.f32 v55, v9;
	v7 =	vadd.f32 v11, v7  }
0x93: {  	v60 =	vld [tilespmem:s26+$0x10]  }
0x94: {  	v2 =	vld.idx.msk [tilespmem:v2+s16+$0x0], $0xffff;
	v6 =	vmul.f32 v56, v12;
	v8 =	vmul.f32 v57, v8;
	v7 =	vadd.f32 v9, v7  }
0x95: {  	v61 =	vld [tilespmem:s26+$0x20]  }
0x96: {  	v5 =	vmul.f32 v58, v10;
	v6 =	vmul.f32 v59, v6;
	v7 =	vadd.f32 v8, v7  }
0x97: {  	v62 =	vld [tilespmem:s26+$0x30]  }
0x98: {  	v3 =	vmul.f32 v4, v3;
	v5 =	vmul.f32 v60, v5;
	v6 =	vadd.f32 v6, v7;
	_ =	sdelay $0x1  }
0x99: {  	v1 =	vmul.f32 v2, v1;
	v3 =	vmul.f32 v61, v3;
	v63 =	vadd.f32 v5, v6;
	_ =	sdelay $0x1  }
0x9a: {  	v1 =	vmul.f32 v62, v1;
	v2 =	vadd.f32 v3, v63;
	_ =	sdelay $0x1  }
0x9b: {  	s25 =	sadd.s32 $0x1, s25;
	v1 =	vadd.f32 v1, v2  }
0x9c: {  	s31 =	sadd.s32 $0x10, s28;
	p0 =	sne.s32 s25, $0x187  }
.Ltmp3:
0x9d: {  	[tilespmem:s31+$0x0] =	vst v1;
	(pc) =	sbr.rel @p0 .LBB2_6-.Ltmp3, $4  }
0x9e: {  	[spmem:s2] =	stream.indirect.scatter.add.f32 [tilespmem:s22], [sflag:$0x4], $0x10, s15, s15, $0xb8;
	[tilespmem:$0x1E720] =	vst v63  }
0x9f: {  	_ =	swait.ge [sflag:s14], $0x800  }
0xa0: {  	[sflag:s14] =	ssyncset.done $0x0  }
0xa1: {  	[sflag:s14] =	ssyncadd.s32 $0xFFFFF800  }
0xa2: {  	s4 =	sadd.s32 $0x1, s4  }
0xa3: {  	s24 =	sshll.u32 s3, $0x6;
	p0 =	sne.s32 s4, s11  }
.Ltmp4:
0xa4: {  	[bflag:$0x0] =	sbarrier.arrive $0xFFFF;
	s24 =	sor.u32 $0x1C04, s24;
	(pc) =	sbr.rel @p0 .LBB2_1-.Ltmp4, $4  }
0xa5: {  	[hbm:s10], [sflag:s24] =	dma.local [spmem:s23], $0x3100  }
0xa6: {  	_ =	swait.ge [sflag:s14], $0x3100  }
0xa7: {  	[sflag:s14] =	ssyncset.done $0x0  }
0xa8: {  	[sflag:s14] =	ssyncadd.s32 $0xFFFFCF00  }
0xa9: {  	_ =	sfence.sel $0x180000  }
0xaa: {  	[bflag:$0x0] =	sbarrier.arrive $0xFFFF  }
0xab: {  	p0 =	sne.s32 s3, $0x0;
	_ =	strace $0x9000004A  }
0xac: {  	s0 =	sadd.s32 @!p0 $0x100000, s0;
	[bflag:$0x2] =	sbarrier.arrive $0xFFFF  }
0xad: {  	[sflag:s0] =	ssyncadd.tile.s32 @!p0 $0x1;
	_ =	shalt  }
.Lfunc_end2:
_tile_overlayer_lowered:
.L_overlay_start_2:
0xae: {  	(tag) =	ssettag $0x2  }
0xaf: {  	s0 =	rddreg [dreg:$0x0];
	s2 =	stileid.u32  }
0xb0: {  	s1 =	rddreg [dreg:$0x1];
	p0 =	sne.s32 s2, $0x0  }
0xb1: {  	s3 =	rddreg [dreg:$0x2];
	[bflag:$0x3] =	sbarrier.arrive $0xFFFF;
	s2 =	simm.s32 @!p0 $0x1C04  }
0xb2: {  	[timem:s3], [sflag:s2] =	dma.local @!p0 [hbm:s0], s1  }
0xb3: {  	s0 =	simm.s32 @!p0 $0x4  }
0xb4: {  	_ =	swait.ge @!p0 [sflag:s0], s1  }
0xb5: {  	s1 =	ssub.s32 @!p0 $0x0, s1;
	[sflag:s0] =	ssyncset.done @!p0 $0x0  }
0xb6: {  	[sflag:s0] =	ssyncadd.s32 @!p0 s1  }
0xb7: {  	[bflag:$0x3] =	sbarrier.arrive $0xFFFF  }
0xb8: {  	_ =	shalt  }

// kernel: kernel.7.cloned.1.call-start
scs
__scs_entry_jumppad:
0x0: {  	(pc) =	sbr.rel $0x88, $3  }
0x1: {  	(tag) =	ssettag $0x0;
	lr =	simm.s32 $0x1  }
0x2: {  	[smem:$0x3F9B] =	sst lr;
	_ =	strace $0xD0000000  }
0x3: {  	_ = 	snop  }
0x4: {  	_ = 	snop  }
0x5: {  	_ = 	snop  }
0x6: {  	_ = 	snop  }
0x7: {  	_ = 	snop  }
__scs_overlays_trampoline_lowered:
0x8: {  	[smem:$0x3FAA] =	sst s0  }
0x9: {  	[smem:$0x3FAB] =	sst s1  }
0xa: {  	[smem:$0x3FAC] =	sst s2  }
0xb: {  	[smem:$0x3FAD] =	sst s3  }
0xc: {  	[smem:$0x3FAE] =	sst s4  }
0xd: {  	[smem:$0x3FAF] =	sst s5  }
0xe: {  	[smem:$0x3FB0] =	sst s6  }
0xf: {  	[smem:$0x3FB1] =	sst s7  }
0x10: {  	[smem:$0x3FB2] =	sst s8  }
0x11: {  	[smem:$0x3FB3] =	sst s9;
	s0 =	simm.s32 @!p0 $0x0  }
0x12: {  	s1 =	sld [smem:$0x3F99];
	s0 =	simm.s32 @p0 $0x1  }
0x13: {  	[smem:$0x3FB4] =	sst s0;
	s0 =	simm.s32 @!p1 $0x0  }
0x14: {  	s2 =	sld [smem:$0x3F98];
	s0 =	simm.s32 @p1 $0x1  }
0x15: {  	[smem:$0x3FB5] =	sst s0;
	s0 =	simm.s32 @!p2 $0x0  }
0x16: {  	s3 =	sld [smem:$0x3FDB];
	s0 =	simm.s32 @p2 $0x1  }
0x17: {  	s4 =	simm.s32 $0x1BF5;
	[smem:$0x3FB7] =	sst s0  }
0x18: {  	s0 =	sld [smem:$0x3F9A];
	_ =	swait.ge [sflag:s4], $0x0  }
0x19: {  	s7 =	sld [smem:$0x3F9B]  }
0x1a: {  	s8 =	sadd.s32 $0xFFFFE003, lr  }
0x1b: {  	s9 =	sadd.s32 $0xFFFFFEF7, lr;
	s5 =	simm.s32 $0xFFFFFFFF;
	p2 =	slt.u32 s8, $0xFFFFF086  }
0x1c: {  	p1 =	slt.u32 s9, $0xF7A;
	s5 =	simm.s32 @!p2 $0x0  }
0x1d: {  	s5 =	simm.s32 @p1 $0x1;
	p0 =	seq.s32 s7, s2  }
0x1e: {  	s7 =	smul.u32 @!p0 $0xF7A, s2;
	p2 =	seq.s32 @!p0 s5, $0x0  }
0x1f: {  	s9 =	smul.u32 $0xF7A, s1;
	s8 =	simm.s32 @!p0 $0x1BF5;
	p2 =	por !p2, p0  }
0x20: {  	[sflag:s8] =	ssyncset.s32 @!p0 $0xFFFFF086;
	s6 =	sadd.s32 @!p0 s3, s7;
	s7 =	simm.s32 @!p0 $0x108  }
0x21: {  	s3 =	sadd.s32 s3, s9;
	s6 =	sadd.s32 @!p0 $0x88, s6;
	s7 =	simm.s32 @p2 $0x1082  }
0x22: {  	[simem:s7], [sflag:s8] =	dma.local @!p0 [hbm:s6], $0xF7A  }
0x23: {  	s9 =	sor.u32 $0xD0000000, s2;
	s6 =	simm.s32 $0x108;
	_ =	swait.ge @!p0 [sflag:s8], $0x0  }
0x24: {  	s3 =	sadd.s32 $0x88, s3;
	s6 =	simm.s32 @!p1 $0x1082;
	[sflag:s4] =	ssyncset.s32 $0xFFFFF086  }
0x25: {  	[simem:s6], [sflag:s4] =	dma.local [hbm:s3], $0xF7A  }
0x26: {  	[smem:$0x3F9B] =	sst s1;
	(tag) =	ssettag s2;
	_ =	strace s9  }
0x27: {  	s1 =	sld [smem:$0x3FAB]  }
0x28: {  	s2 =	sld [smem:$0x3FAC]  }
0x29: {  	s4 =	sld [smem:$0x3FAE]  }
0x2a: {  	p0 =	seq.s32 s5, $0x0;
	s5 =	sld [smem:$0x3FAF]  }
0x2b: {  	s6 =	sld [smem:$0x3FB0]  }
0x2c: {  	s7 =	sld [smem:$0x3FB1]  }
0x2d: {  	s3 =	simm.s32 $0x108;
	s8 =	sld [smem:$0x3FB2]  }
0x2e: {  	s3 =	simm.s32 @!p0 $0x1082;
	s9 =	sld [smem:$0x3FB3]  }
0x2f: {  	lr =	sadd.s32 s0, s3;
	s0 =	sld [smem:$0x3FAA]  }
0x30: {  	s3 =	sld [smem:$0x3FAD]  }
0x31: {  	[smem:$0x3FB6] =	sst s10  }
0x32: {  	s10 =	sld [smem:$0x3FB4];
	_ =	sdelay $0x3  }
0x33: {  	p0 =	seq.s32 s10, $0x1;
	s10 =	sld [smem:$0x3FB6];
	_ =	sdelay $0x3  }
0x34: {  	[smem:$0x3FB6] =	sst s10  }
0x35: {  	s10 =	sld [smem:$0x3FB5];
	_ =	sdelay $0x3  }
0x36: {  	p1 =	seq.s32 s10, $0x1;
	s10 =	sld [smem:$0x3FB6];
	_ =	sdelay $0x3  }
0x37: {  	[smem:$0x3FB6] =	sst s10  }
0x38: {  	s10 =	sld [smem:$0x3FB7]  }
0x39: {  	_ = 	snop;
	(pc) =	sbr.ind lr, $3  }
0x3a: {  	_ = 	snop  }
0x3b: {  	_ = 	snop  }
0x3c: {  	p2 =	seq.s32 s10, $0x1;
	s10 =	sld [smem:$0x3FB6]  }
0x3d: {  	_ =	shalt  }
0x3e: {  	_ =	shalt  }
0x3f: {  	_ =	shalt  }
0x40: {  	_ =	shalt  }
0x41: {  	_ =	shalt  }
0x42: {  	_ =	shalt  }
0x43: {  	_ =	shalt  }
0x44: {  	_ =	shalt  }
0x45: {  	_ =	shalt  }
0x46: {  	_ =	shalt  }
0x47: {  	_ =	shalt  }
0x48: {  	_ =	shalt  }
0x49: {  	_ =	shalt  }
0x4a: {  	_ =	shalt  }
0x4b: {  	_ =	shalt  }
0x4c: {  	_ =	shalt  }
0x4d: {  	_ =	shalt  }
0x4e: {  	_ =	shalt  }
0x4f: {  	_ =	shalt  }
0x50: {  	_ =	shalt  }
0x51: {  	_ =	shalt  }
0x52: {  	_ =	shalt  }
0x53: {  	_ =	shalt  }
0x54: {  	_ =	shalt  }
0x55: {  	_ =	shalt  }
0x56: {  	_ =	shalt  }
0x57: {  	_ =	shalt  }
0x58: {  	_ =	shalt  }
0x59: {  	_ =	shalt  }
0x5a: {  	_ =	shalt  }
0x5b: {  	_ =	shalt  }
0x5c: {  	_ =	shalt  }
0x5d: {  	_ =	shalt  }
0x5e: {  	_ =	shalt  }
0x5f: {  	_ =	shalt  }
0x60: {  	_ =	shalt  }
0x61: {  	_ =	shalt  }
0x62: {  	_ =	shalt  }
0x63: {  	_ =	shalt  }
0x64: {  	_ =	shalt  }
0x65: {  	_ =	shalt  }
0x66: {  	_ =	shalt  }
0x67: {  	_ =	shalt  }
0x68: {  	_ =	shalt  }
0x69: {  	_ =	shalt  }
0x6a: {  	_ =	shalt  }
0x6b: {  	_ =	shalt  }
0x6c: {  	_ =	shalt  }
0x6d: {  	_ =	shalt  }
0x6e: {  	_ =	shalt  }
0x6f: {  	_ =	shalt  }
0x70: {  	_ =	shalt  }
0x71: {  	_ =	shalt  }
0x72: {  	_ =	shalt  }
0x73: {  	_ =	shalt  }
0x74: {  	_ =	shalt  }
0x75: {  	_ =	shalt  }
0x76: {  	_ =	shalt  }
0x77: {  	_ =	shalt  }
0x78: {  	_ =	shalt  }
0x79: {  	_ =	shalt  }
0x7a: {  	_ =	shalt  }
0x7b: {  	_ =	shalt  }
0x7c: {  	_ =	shalt  }
0x7d: {  	_ =	shalt  }
0x7e: {  	_ =	shalt  }
0x7f: {  	_ =	shalt  }
0x80: {  	_ =	shalt  }
0x81: {  	_ =	shalt  }
0x82: {  	_ =	shalt  }
0x83: {  	_ =	shalt  }
0x84: {  	_ =	shalt  }
0x85: {  	_ =	shalt  }
0x86: {  	_ =	shalt  }
0x87: {  	_ =	shalt  }
.Lfunc_end0:
.L_simem_size_0:
called_computation_lowered:
.L_overlay_start_0:
0x88: {  	s2 =	sld [smem:$0x3FD9]  }
0x89: {  	s3 =	sld [smem:$0x3FFE];
	_ =	sdelay $0x1  }
0x8a: {  	s1 =	srdreg.scid  }
0x8b: {  	s0 =	sand.u32 $0x1, s1  }
0x8c: {  	s17 =	sshll.u32 s0, $0xA;
	s2 =	sadd.s32 s3, s2  }
0x8d: {  	s2 =	sadd.s32 s2, s17  }
0x8e: {  	[smem:$0x3FC2] =	sst s2  }
0x8f: {  	_ = 	snop  }
0x90: {  	s2 =	sld [smem:$0x3FD0];
	(tm) =	ssettm $0x1  }
0x91: {  	s18 =	sld [smem:$0x3FFB];
	_ =	sdelay $0x3  }
0x92: {  	_ =	strace s18  }
0x93: {  	s3 =	sld [smem:$0x3FFC];
	_ =	sdelay $0x3  }
0x94: {  	_ =	strace s3  }
0x95: {  	s3 =	sld [smem:$0x3FFD];
	_ =	sdelay $0x3  }
0x96: {  	_ =	strace s3  }
0x97: {  	_ =	strace $0x8FFFFFFF  }
0x98: {  	s19 =	sld [smem:$0x3FDB];
	_ =	sdelay $0x1  }
0x99: {  	s4 =	simm.s32 $_scs_section_size  }
0x9a: {  	s5 =	simm.s32 $_size__tile_overlayer_lowered;
	s6 =	simm.s32 $_tile_overlayer_lowered  }
0x9b: {  	s22 =	simm.s32 $0x1BFF;
	s21 =	sshll.u32 s6, $0x1;
	s3 =	sadd.s32 s4, s19  }
0x9c: {  	s7 =	simm.s32 $0x0;
	s20 =	sshll.u32 s5, $0x1;
	s5 =	sadd.s32 s21, s3  }
0x9d: {  	[timem:s7], [sflag:s22] =	dma.local [hbm:s5], s20  }
0x9e: {  	_ =	swait.ge [sflag:s22], s20  }
0x9f: {  	s4 =	ssub.s32 $0x0, s20;
	[sflag:s22] =	ssyncset.done $0x0  }
0xa0: {  	[sflag:s22] =	ssyncadd.s32 s4;
	_ =	sdelay $0x1  }
0xa1: {  	s23 =	simm.s32 $0x1B8B  }
0xa2: {  	_ =	swait.ge [sflag:s23], $0x1  }
0xa3: {  	[sflag:s23] =	ssyncset.done $0x0  }
0xa4: {  	s25 =	simm.s32 $0x1B8E;
	s24 =	sld [smem:$0x3FFE];
	[sflag:s23] =	ssyncadd.s32 $0xFFFFFFFF  }
0xa5: {  	s26 =	simm.s32 $execute0_lowered;
	[smem:$0x3FD2] =	sst s25  }
0xa6: {  	s5 =	sshll.u32 s26, $0x1;
	_ =	strace $0x80000046;
	[dreg:$0x1] =	wrdreg $0xFFFFFFFF  }
0xa7: {  	s28 =	simm.s32 $_size_execute0_lowered;
	s3 =	sadd.s32 s3, s5;
	[dreg:$0x0] =	wrdreg $0x0  }
0xa8: {  	s5 =	sshll.u32 s28, $0x1;
	[dreg:$0x2] =	wrdreg s3  }
0xa9: {  	[dreg:$0x3] =	wrdreg s5  }
0xaa: {  	[dreg:$0x4] =	wrdreg $0xC0  }
0xab: {  	_ =	task [dreg:s7], $0x5FFFF  }
0xac: {  	[dreg:$0x1] =	wrdreg $0xFFFFFFFF  }
0xad: {  	[dreg:$0x0] =	wrdreg $0x60  }
0xae: {  	[dreg:$0x2] =	wrdreg s2  }
0xaf: {  	[dreg:$0x3] =	wrdreg s24  }
0xb0: {  	[dreg:$0x4] =	wrdreg $0x1F200  }
0xb1: {  	[dreg:$0x5] =	wrdreg $0x9  }
0xb2: {  	_ =	task.clear_ibuf [dreg:s7], $0x6FFFF;
	_ =	strace $0x90000046  }
0xb3: {  	s29 =	simm.s32 $0x9;
	_ =	strace $0x80000048  }
0xb4: {  	_ =	swait.ge [sflag:s29], $0x1  }
0xb5: {  	[sflag:s29] =	ssyncadd.s32 $0xFFFFFFFF  }
0xb6: {  	_ =	strace $0x90000048  }
0xb7: {  	_ =	sfence  }
0xb8: {  	s30 =	sld [smem:$0x0];
	_ =	sdelay $0x2  }
0xb9: {  	s31 =	sshll.u32 s1, $0xD;
	s1 =	sshrl.u32 s1, $0x2  }
0xba: {  	s3 =	sand.u32 $0x4000, s31;
	s1 =	sadd.s32 s1, s30  }
0xbb: {  	s0 =	sor.u32 s3, s0;
	s1 =	sshll.u32 s1, $0x11  }
0xbc: {  	s0 =	sor.u32 s1, s0  }
0xbd: {  	s0 =	sadd.s32 $0x8F2B, s0  }
0xbe: {  	[sflag:s0] =	ssyncadd.remote.s32 $0x1  }
0xbf: {  	_ =	sfence.sel $0xFFFF  }
0xc0: {  	[dreg:$0x0] =	wrdreg $0xFFFFFFFF;
	(pc) =	sbr.abs _section_cstart, $3  }
0xc1: {  	[dreg:$0x1] =	wrdreg $0xFFFFFFFF  }
0xc2: {  	_ =	task.clear_ibuf [dreg:s7], $0x2FFFF;
	_ =	strace $0x9FFFFFFF  }
0xc3: {  	(tm) =	ssettm $0x7FFFFFFF  }
tec
execute0_lowered:
.L_overlay_start_1:
0x0: {  	(tag) =	ssettag $0x1  }
0x1: {  	s0 =	rddreg [dreg:$0x0]  }
0x2: {  	s8 =	rddreg [dreg:$0x1]  }
0x3: {  	s1 =	srdreg.scid;
	s3 =	rddreg [dreg:$0x2]  }
0x4: {  	s2 =	stileid.u32;
	s4 =	simm.s32 $0x0;
	s16 =	simm.s32 $0x100  }
0x5: {  	s17 =	simm.s32 $0x900;
	s18 =	simm.s32 $0x1;
	s19 =	simm.s32 $0x2  }
0x6: {  	s20 =	simm.s32 $0x1100;
	s22 =	simm.s32 $0x0;
	s11 =	smul.u32 $0x18800, s2  }
0x7: {  	s9 =	sand.u32 $0x1, s1;
	[smem:$0x7FF] =	sst s4;
	s15 =	smul.u32 $0x62000, s2  }
0x8: {  	s5 =	sadd.s32 $0x64000, s8;
	s14 =	sshll.u32 s2, $0x7;
	s6 =	smul.u32 $0x188000, s9  }
0x9: {  	_ =	strace $0x80000047;
	s12 =	ssub.s32 $0x2, s9;
	s9 =	sshll.u32 s9, $0xB  }
0xa: {  	s13 =	sshrl.u32 s12, $0x1;
	s9 =	sor.u32 s14, s9;
	s21 =	sadd.s32 s11, s3  }
0xb: {  	s31 =	sshrl.u32 s15, $0x2;
	s14 =	simm.s32 $0x3;
	s15 =	simm.s32 $0x80  }
0xc: {  	s7 =	sadd.s32 s11, s6;
	s6 =	sadd.s32 $0x2000, s8;
	s12 =	ssub.s32 s12, s13  }
0xd: {  	s13 =	simm.s32 $0x1900;
	s21 =	sshrl.u32 s21, $0x3;
	s10 =	sshrl.u32 s7, $0x3  }
0xe: {  	s7 =	sadd.s32 $0x33000, s8;
	s11 =	smax.u32 s12, $0x1;
	s10 =	sadd.s32 s10, s8  }
0xf: {  	v0 =	vimm.f32 $0.0e+00;
	s12 =	sadd.s32 s31, s3;
	s8 =	sadd.s32 $0x61C800, s8;
	s10 =	sadd.s32 $0x94E00, s10  }
.LBB2_1:
0x10: {  	s23 =	simm.s32 $0x0  }
.LBB2_2:
0x11: {  	p0 =	sne.s32 s23, $0x1840  }
.Ltmp0:
0x12: {  	_ = 	snop;
	(pc) =	sbr.rel @p0 .LBB2_2-.Ltmp0, $3  }
0x13: {  	_ =	sdelay $0x1  }
0x14: {  	s24 =	sshra.s32 s23, $0x2  }
0x15: {  	s23 =	sadd.s32 $0x40, s23;
	[tilespmem:s24+$0x1900] =	vst v0  }
0x16: {  	s23 =	sadd.s32 $0x0, s12  }
0x17: {  	[spmem:s23] =	stream.linear.scatter [tilespmem:s13], [sflag:$0x3], $0x620, $0x38;
	[tilespmem:$0x1A720] =	vst v63  }
0x18: {  	s23 =	simm.s32 $0x1880;
	_ =	swait.ge [sflag:s14], $0x620  }
.LBB2_4:
0x19: {  	s24 =	sshra.s32 s23, $0x2;
	[sflag:s14] =	ssyncset.done $0x0;
	p0 =	sne.s32 s23, $0x60780  }
.Ltmp1:
0x1a: {  	s24 =	sadd.s32 s24, s12;
	[sflag:s14] =	ssyncadd.s32 $0xFFFFF9E0;
	(pc) =	sbr.rel @p0 .LBB2_4-.Ltmp1, $3  }
0x1b: {  	[spmem:s24] =	stream.linear.scatter [tilespmem:s13], [sflag:$0x3], $0x620, $0x38;
	[tilespmem:$0x1A720] =	vst v63  }
0x1c: {  	s23 =	sadd.s32 $0x1880, s23;
	_ =	sdelay $0x1  }
0x1d: {  	_ =	swait.ge [sflag:s14], $0x620  }
0x1e: {  	[sflag:s14] =	ssyncset.done $0x0  }
0x1f: {  	[sflag:s14] =	ssyncadd.s32 $0xFFFFF9E0  }
0x20: {  	s23 =	simm.s32 $0x0;
	s24 =	simm.s32 $0x0;
	[bflag:$0x0] =	sbarrier.arrive $0xFFFF  }
.LBB2_6:
0x21: {  	s25 =	sshll.u32 s24, $0xC  }
0x22: {  	s25 =	sor.u32 s9, s25  }
0x23: {  	s26 =	sshrl.u32 s25, $0x3  }
0x24: {  	s28 =	sadd.s32 s0, s26  }
0x25: {  	[tilespmem:s23], [sflag:$0x3] =	stream.linear.gather [hbm4b:s28+s23], $0x80, $0x38;
	[tilespmem:$0x1A720] =	vst v63  }
0x26: {  	_ =	swait.ge [sflag:s14], $0x80  }
0x27: {  	[sflag:s14] =	ssyncset.done $0x0  }
0x28: {  	s26 =	sadd.s32 s5, s26;
	[sflag:s14] =	ssyncadd.s32 $0xFFFFFF80  }
0x29: {  	[tilespmem:s15], [sflag:$0x3] =	stream.linear.gather [hbm4b:s26+s23], $0x80, $0x38;
	[tilespmem:$0x1A720] =	vst v63  }
0x2a: {  	_ =	swait.ge [sflag:s14], $0x80  }
0x2b: {  	[sflag:s14] =	ssyncset.done $0x0  }
0x2c: {  	[sflag:s14] =	ssyncadd.s32 $0xFFFFFF80  }
0x2d: {  	[tilespmem:s16], [sflag:$0x1] =	stream.indirect.gather [hbm4b:s6+s15], $0x10, s23, s15, $0xb8;
	[tilespmem:$0x1A720] =	vst v63  }
0x2e: {  	_ = 	snop  }
0x2f: {  	[tilespmem:s17], [sflag:$0x2] =	stream.indirect.gather [hbm4b:s7+s15], $0x10, s15, s15, $0xb8;
	[tilespmem:$0x1A720] =	vst v63  }
0x30: {  	_ =	swait.ge [sflag:s18], $0x800  }
0x31: {  	[sflag:s18] =	ssyncset.done $0x0  }
0x32: {  	[sflag:s18] =	ssyncadd.s32 $0xFFFFF800  }
0x33: {  	_ =	swait.ge [sflag:s19], $0x800  }
0x34: {  	[sflag:s19] =	ssyncset.done $0x0  }
0x35: {  	s26 =	simm.s32 $0x0;
	[sflag:s19] =	ssyncadd.s32 $0xFFFFF800  }
0x36: {  	v1 =	vld [tilespmem:s26+$0x100]  }
0x37: {  	v2 =	vld [tilespmem:s26+$0x900];
	_ =	sdelay $0x4  }
0x38: {  	v1 =	vadd.f32 v2, v1;
	_ =	sdelay $0x1  }
0x39: {  	s28 =	simm.s32 $0x10;
	v2 =	vmul.f32 $2.000000030e-01, v1  }
0x3a: {  	v3 =	vld [tilespmem:s28+$0x100];
	vm0 =	vge.f32 v1, $0.0e+00  }
0x3b: {  	v4 =	vld [tilespmem:s28+$0x900];
	v1 =	vsel vm0, v1, v2  }
0x3c: {  	s30 =	simm.s32 $0x20;
	v1 =	vmul.f32 $1.442695020e+00, v1  }
0x3d: {  	v2 =	vld [tilespmem:s30+$0x100]  }
0x3e: {  	(erf) = vpow2.f32 v1;
	v1 =	vld [tilespmem:s30+$0x900];
	_ =	sdelay $0x1  }
0x3f: {  	v3 =	vadd.f32 v4, v3;
	_ =	sdelay $0x1  }
0x40: {  	v4 =	vmul.f32 $2.000000030e-01, v3  }
0x41: {  	vm14 =	vge.f32 v3, $0.0e+00;
	v5 =	vadd.f32 v1, v2  }
0x42: {  	v1 =	vsel vm14, v3, v4  }
0x43: {  	s29 =	simm.s32 $0x30;
	v2 =	vmul.f32 $1.442695020e+00, v1;
	v3 =	vmul.f32 $2.000000030e-01, v5  }
0x44: {  	v1 =	vld [tilespmem:s29+$0x100]  }
0x45: {  	(erf) = vpow2.f32 v2;
	v2 =	vld [tilespmem:s29+$0x900]  }
0x46: {  	vm15 =	vge.f32 v5, $0.0e+00  }
0x47: {  	s31 =	simm.s32 $0x100;
	v4 =	vsel vm15, v5, v3;
	v3 =	vpop (erf)  }
.LBB2_7:
0x48: {  	s1 =	sshra.s32 s31, $0x2  }
0x49: {  	v4 =	vmul.f32 $1.442695020e+00, v4;
	[tilespmem:s26+$0x1100] =	vst v3;
	s26 =	smov.u32 s28;
	s28 =	smov.u32 s30;
	p0 =	sne.s32 s31, $0x1FC0  }
.Ltmp2:
0x4a: {  	s31 =	sadd.s32 $0x40, s31;
	v3 =	vadd.f32 v2, v1;
	v1 =	vld [tilespmem:s1+$0x100];
	(pc) =	sbr.rel @p0 .LBB2_7-.Ltmp2, $4  }
0x4b: {  	s30 =	smov.u32 s29;
	s29 =	smov.u32 s1;
	v2 =	vld [tilespmem:s1+$0x900];
	(erf) = vpow2.f32 v4  }
0x4c: {  	v4 =	vmul.f32 $2.000000030e-01, v3  }
0x4d: {  	vm0 =	vge.f32 v3, $0.0e+00  }
0x4e: {  	v4 =	vsel vm0, v3, v4;
	v3 =	vpop (erf)  }
0x4f: {  	_ = 	snop  }
0x50: {  	v1 =	vadd.f32 v2, v1;
	_ =	sdelay $0x1  }
0x51: {  	v2 =	vmul.f32 $2.000000030e-01, v1  }
0x52: {  	vm0 =	vge.f32 v1, $0.0e+00  }
0x53: {  	v1 =	vsel vm0, v1, v2;
	v2 =	vmul.f32 $1.442695020e+00, v4  }
0x54: {  	v1 =	vmul.f32 $1.442695020e+00, v1  }
0x55: {  	(erf) = vpow2.f32 v2  }
0x56: {  	(erf) = vpow2.f32 v1;
	_ =	sdelay $0x6  }
0x57: {  	[tilespmem:s26+$0x1100] =	vst v3;
	v1 =	vpop (erf)  }
0x58: {  	[tilespmem:s28+$0x1100] =	vst v1;
	v1 =	vpop (erf)  }
0x59: {  	s1 =	sshll.u32 s25, $0x1;
	[tilespmem:s30+$0x1100] =	vst v1;
	v1 =	vpop (erf)  }
0x5a: {  	s1 =	sadd.s32 s8, s1;
	[tilespmem:s29+$0x1100] =	vst v1  }
0x5b: {  	[hbm4b:s1+s4] =	stream.linear.scatter [tilespmem:s20], [sflag:$0x3], $0x800, $0x38;
	[tilespmem:$0x1A720] =	vst v63  }
0x5c: {  	s24 =	sadd.s32 $0x1, s24;
	_ =	swait.ge [sflag:s14], $0x800  }
0x5d: {  	p0 =	sne.s32 s24, $0x187;
	[sflag:s14] =	ssyncset.done $0x0  }
.Ltmp3:
0x5e: {  	[sflag:s14] =	ssyncadd.s32 $0xFFFFF800;
	(pc) =	sbr.rel @p0 .LBB2_6-.Ltmp3, $4  }
0x5f: {  	[spmem:s3] =	stream.indirect.scatter.add.f32 [tilespmem:s20], [sflag:$0x3], $0x10, s15, s15, $0xb8;
	[tilespmem:$0x1A720] =	vst v63  }
0x60: {  	_ =	swait.ge [sflag:s14], $0x800  }
0x61: {  	[sflag:s14] =	ssyncset.done $0x0  }
0x62: {  	[sflag:s14] =	ssyncadd.s32 $0xFFFFF800  }
0x63: {  	s22 =	sadd.s32 $0x1, s22  }
0x64: {  	s1 =	sshll.u32 s2, $0x6;
	p0 =	sne.s32 s22, s11  }
.Ltmp4:
0x65: {  	[bflag:$0x0] =	sbarrier.arrive $0xFFFF;
	s1 =	sor.u32 $0x1C03, s1;
	(pc) =	sbr.rel @p0 .LBB2_1-.Ltmp4, $4  }
0x66: {  	[hbm:s10], [sflag:s1] =	dma.local [spmem:s21], $0x3100  }
0x67: {  	_ =	swait.ge [sflag:s14], $0x3100  }
0x68: {  	[sflag:s14] =	ssyncset.done $0x0  }
0x69: {  	[sflag:s14] =	ssyncadd.s32 $0xFFFFCF00  }
0x6a: {  	_ =	sfence.sel $0x180000  }
0x6b: {  	[bflag:$0x0] =	sbarrier.arrive $0xFFFF  }
0x6c: {  	_ =	strace $0x90000047  }
0x6d: {  	[bflag:$0x2] =	sbarrier.arrive $0xFFFF  }
0x6e: {  	p0 =	sne.s32 s2, $0x0;
	s0 =	rddreg [dreg:$0x3]  }
0x6f: {  	s0 =	sadd.s32 @!p0 $0x100000, s0  }
0x70: {  	[sflag:s0] =	ssyncadd.tile.s32 @!p0 $0x1;
	_ =	shalt  }
.Lfunc_end2:
_tile_overlayer_lowered:
.L_overlay_start_2:
0x71: {  	(tag) =	ssettag $0x2  }
0x72: {  	s0 =	rddreg [dreg:$0x0];
	s2 =	stileid.u32  }
0x73: {  	s1 =	rddreg [dreg:$0x1];
	p0 =	sne.s32 s2, $0x0  }
0x74: {  	s3 =	rddreg [dreg:$0x2];
	[bflag:$0x3] =	sbarrier.arrive $0xFFFF;
	s2 =	simm.s32 @!p0 $0x1C03  }
0x75: {  	[timem:s3], [sflag:s2] =	dma.local @!p0 [hbm:s0], s1  }
0x76: {  	s0 =	simm.s32 @!p0 $0x3  }
0x77: {  	_ =	swait.ge @!p0 [sflag:s0], s1  }
0x78: {  	s1 =	ssub.s32 @!p0 $0x0, s1;
	[sflag:s0] =	ssyncset.done @!p0 $0x0  }
0x79: {  	[sflag:s0] =	ssyncadd.s32 @!p0 s1  }
0x7a: {  	[bflag:$0x3] =	sbarrier.arrive $0xFFFF  }
0x7b: {  	_ =	shalt  }

</sc_bundles>
